<compile_context>
chip_gen: v7x
topology: tpu7x:2x2x1
jax: 0.10.2.dev20260603
libtpu: 0.0.44.dev20260713+nightly
codegen_flags: <defaults>
</compile_context>

<pallas_src>
import functools

import jax
import jax.numpy as jnp
from jax import lax
from jax.experimental import pallas as pl
from jax.experimental.pallas import tpu as pltpu
from jax.experimental.pallas import tpu_sc as plsc

_B, _A, _R, _L = 4, 2, 64, 65536
_BA = _B * _A
_NC, _NS, _LANES = 2, 16, 16
_NW = _NC * _NS
_WPR = _NW // _BA

_L_TC = 40960
_L_SC = _L - _L_TC
_LW = _L_SC // _WPR
_C = 512
_NCHUNK = _LW // _C

_CT = 2048


def _sc_call(mixed, ref, wpad):
    mesh = plsc.VectorSubcoreMesh(core_axis_name="c", subcore_axis_name="s")

    @functools.partial(
        pl.kernel,
        mesh=mesh,
        out_type=[
            jax.ShapeDtypeStruct((_BA, _L_SC), jnp.float32),
            jax.ShapeDtypeStruct((_BA, _L_SC), jnp.int32),
        ],
        scratch_types=[
            pltpu.VMEM((2, _R, _C), jnp.float32),
            pltpu.VMEM((_LW,), jnp.float32),
            pltpu.VMEM((_LW,), jnp.float32),
            pltpu.VMEM((_LW,), jnp.int32),
            pltpu.VMEM((_LANES,), jnp.float32),
            pltpu.SemaphoreType.DMA,
            pltpu.SemaphoreType.DMA,
        ],
    )
    def body(mixed_hbm, ref_hbm, w_hbm, pooled_hbm, idx_hbm,
             ref_v, m_v, p_v, i_v, w_v, sem0, sem1):
        wid = lax.axis_index("s") * _NC + lax.axis_index("c")
        ba = wid // _WPR
        b = ba // _A
        span0 = (wid % _WPR) * _LW
        l_base = _L_TC + span0
        sems = (sem0, sem1)

        def start_in(ci, par):
            l0 = l_base + ci * _C
            pltpu.async_copy(
                ref_hbm.at[ba, :, pl.ds(l0, _C)], ref_v.at[par], sems[par])

        def wait_in(par):
            pltpu.make_async_copy(
                ref_hbm.at[ba, :, pl.ds(l_base, _C)], ref_v.at[par],
                sems[par]).wait()

        pltpu.sync_copy(w_hbm, w_v)
        pltpu.sync_copy(mixed_hbm.at[b, pl.ds(l_base, _LW)], m_v)
        wvec = w_v[...]
        w0 = wvec[0]
        w1 = wvec[1]

        start_in(0, 0)
        start_in(1, 1)

        def compute(ci, par):
            off0 = ci * _C

            def j_body(j, _):
                off = off0 + j * _LANES
                m = m_v[pl.ds(off, _LANES)]

                def r_body(r, carry):
                    mx1, mx2, ix = carry
                    v = ref_v[par, r, pl.ds(j * _LANES, _LANES)] * m
                    gt = v > mx1
                    mx2n = jnp.maximum(mx2, jnp.minimum(v, mx1))
                    ixn = jnp.where(gt, jnp.full((_LANES,), 0, jnp.int32) + r, ix)
                    mx1n = jnp.maximum(mx1, v)
                    return mx1n, mx2n, ixn

                neg = jnp.full((_LANES,), -jnp.inf, jnp.float32)
                mx1, mx2, ix = lax.fori_loop(
                    0, _R, r_body,
                    (neg, neg, jnp.zeros((_LANES,), jnp.int32)),
                    unroll=8)
                p_v[pl.ds(off, _LANES)] = mx1 * w0 + mx2 * w1
                i_v[pl.ds(off, _LANES)] = ix
                return 0

            lax.fori_loop(0, _C // _LANES, j_body, 0)

        def chunk_pair(cp, _):
            ci0 = cp * 2
            wait_in(0)
            compute(ci0, 0)

            @pl.when(ci0 + 2 < _NCHUNK)
            def _():
                start_in(ci0 + 2, 0)

            wait_in(1)
            compute(ci0 + 1, 1)

            @pl.when(ci0 + 3 < _NCHUNK)
            def _():
                start_in(ci0 + 3, 1)

            return 0

        lax.fori_loop(0, _NCHUNK // 2, chunk_pair, 0)

        pltpu.sync_copy(p_v, pooled_hbm.at[ba, pl.ds(span0, _LW)])
        pltpu.sync_copy(i_v, idx_hbm.at[ba, pl.ds(span0, _LW)])

    return body(mixed, ref, wpad)


def _tc_body(m_ref, r_ref, w_ref, p_ref, i_ref):
    blk = r_ref[0]
    m = m_ref[0]
    multi = blk * m
    mx1 = jnp.max(multi, axis=0, keepdims=True)
    iota = lax.broadcasted_iota(jnp.int32, (_R, _CT), 0)
    ix = jnp.min(jnp.where(multi == mx1, iota, _R), axis=0, keepdims=True)
    masked = jnp.where(iota == ix, -jnp.inf, multi)
    mx2 = jnp.max(masked, axis=0, keepdims=True)
    w0 = w_ref[0, 0]
    w1 = w_ref[0, 1]
    p_ref[0] = mx1 * w0 + mx2 * w1
    i_ref[0] = ix


def _tc_call(mixed3, ref, w2d):
    grid = (_BA, _L_TC // _CT)
    return pl.pallas_call(
        _tc_body,
        grid=grid,
        in_specs=[
            pl.BlockSpec((1, 1, _CT), lambda ba, j: (ba // _A, 0, j)),
            pl.BlockSpec((1, _R, _CT), lambda ba, j: (ba, 0, j)),
            pl.BlockSpec((8, 128), lambda ba, j: (0, 0)),
        ],
        out_specs=[
            pl.BlockSpec((1, 1, _CT), lambda ba, j: (ba, 0, j)),
            pl.BlockSpec((1, 1, _CT), lambda ba, j: (ba, 0, j)),
        ],
        out_shape=[
            jax.ShapeDtypeStruct((_BA, 1, _L_TC), jnp.float32),
            jax.ShapeDtypeStruct((_BA, 1, _L_TC), jnp.int32),
        ],
    )(mixed3, ref, w2d)


def kernel(mixed_vcf, ref_panel, weights):
    ref = ref_panel.reshape(_BA, _R, _L)
    k = weights.shape[0]
    wpad = jnp.pad(weights.reshape(-1), (0, _LANES - k))
    w2d = jnp.broadcast_to(wpad[None, :], (8, 128)[:1] + (16,))
    w2d = jnp.pad(w2d, ((0, 7), (0, 112)))
    mixed3 = mixed_vcf.reshape(_B, 1, _L)

    p_tc, i_tc = _tc_call(mixed3, ref, w2d)
    p_sc, i_sc = _sc_call(mixed_vcf, ref, wpad)

    pooled = jnp.concatenate([p_tc.reshape(_BA, _L_TC), p_sc], axis=1)
    idx = jnp.concatenate([i_tc.reshape(_BA, _L_TC), i_sc], axis=1)
    return pooled.reshape(_B, _A, _L), idx.reshape(_B, _A, _L)

# --- scband reference (transcript-rebuilt; emitter-appended) ---
"""Pipeline reference for scband-agnostic-model-17626545783217 (READ-ONLY COPY).

The authoritative reference and input builder live on the scoring server;
editing this copy changes nothing except your own understanding.
"""

import jax, jax.numpy as jnp
import numpy as np


def setup_inputs(seed: int = 0) -> dict:
    key = jax.random.key(seed)
    k1, k2, k3 = jax.random.split(key, 3)
    B, A, R, L, K = 4, 2, 64, 65536, 2
    mixed_vcf = jax.random.normal(k1, (B, L), dtype=jnp.float32)
    ref_panel = jax.random.normal(k2, (B, A, R, L), dtype=jnp.float32)
    weights = jax.random.uniform(k3, (K, 1), dtype=jnp.float32)
    return {"mixed_vcf": mixed_vcf, "ref_panel": ref_panel, "weights": weights}


def reference(mixed_vcf, ref_panel, weights):
    # XOR / multiply_ref_panel: mixed [B,L] broadcast against ref_panel [B,A,R,L]
    multi = mixed_vcf[:, None, None, :] * ref_panel  # [B, A, R, L]
    k = weights.shape[0]
    # TopKPool: torch.topk(inp, k, dim=0) over the reference-haplotype axis R.
    # lax.top_k works on the last axis, so swap R to last.
    vals, idx = jax.lax.top_k(jnp.swapaxes(multi, 2, 3), k)  # [B, A, L, K]
    maximums = jnp.swapaxes(vals, 2, 3)  # [B, A, K, L]
    indices = jnp.swapaxes(idx, 2, 3)    # [B, A, K, L]
    # AddPoolings: out = inp * weights[:k]; sum over the k axis (keepdim in torch -> [1,L] per ancestry)
    pooled = jnp.sum(maximums * weights[None, None, :, :], axis=2)  # [B, A, L]
    # stack_ancestries: concat the per-ancestry [1,L] outputs -> [A, L], stack over batch -> [B, A, L]
    # max_indices_batch: indices[0] per ancestry, stacked -> [B, A, L]
    max_indices = indices[:, :, 0, :]
    return pooled, max_indices

if __name__ == "__main__":
    import jax
    _d = setup_inputs()
    print(jax.jit(kernel)(*tuple(_d.values())))

</pallas_src>

<mosaic_0001>
#map = affine_map<(d0, d1) -> (0, 0)>
#map1 = affine_map<(d0, d1) -> (0, 0, 0)>
#map2 = affine_map<(d0, d1) -> (0)>
module attributes {stable_mosaic.version = 14 : i64} {
  func.func @body(%arg0: i32, %arg1: i32, %arg2: memref<4x65536xf32, #tpu.memory_space<hbm>>, %arg3: memref<8x64x65536xf32, #tpu.memory_space<hbm>>, %arg4: memref<16xf32, #tpu.memory_space<hbm>>, %arg5: memref<8x24576xf32, #tpu.memory_space<hbm>>, %arg6: memref<8x24576xi32, #tpu.memory_space<hbm>>, %arg7: memref<2x64x512xf32, #tpu.memory_space<vmem>>, %arg8: memref<6144xf32, #tpu.memory_space<vmem>>, %arg9: memref<6144xf32, #tpu.memory_space<vmem>>, %arg10: memref<6144xi32, #tpu.memory_space<vmem>>, %arg11: memref<16xf32, #tpu.memory_space<vmem>>, %arg12: memref<!tpu.dma_semaphore, #tpu.memory_space<semaphore_mem>>, %arg13: memref<!tpu.dma_semaphore, #tpu.memory_space<semaphore_mem>>) attributes {dimension_semantics = [#tpu.dimension_semantics<core_parallel>, #tpu.dimension_semantics<subcore_parallel>], iteration_bounds = array<i64: 2, 16>, scalar_prefetch = 0 : i64, scratch_operands = 7 : i64, tpu.core_type = #tpu.core_type<sc_vector_subcore>, window_params = [{transform_indices = #map}, {transform_indices = #map1}, {transform_indices = #map2}, {transform_indices = #map}, {transform_indices = #map}]} {
    %mul3A = arith.constant 2 : i32
    %mul3A_0 = arith.muli %arg1, %mul3A : i32
    %add3A = arith.addi %mul3A_0, %arg0 : i32
    %jit3A = arith.constant 4 : i32
    %div3A = arith.divsi %add3A, %jit3A : i32
    %sign3A = arith.constant 0 : i32
    %sign3A_1 = arith.cmpi sgt, %add3A, %sign3A : i32
    %sign3A_2 = arith.extui %sign3A_1 : i1 to i32
    %sign3A_3 = arith.constant 0 : i32
    %sign3A_4 = arith.cmpi slt, %add3A, %sign3A_3 : i32
    %sign3A_5 = arith.extui %sign3A_4 : i1 to i32
    %sign3A_6 = arith.subi %sign3A_2, %sign3A_5 : i32
    %sign3A_7 = arith.constant 0 : i32
    %sign3A_8 = arith.cmpi sgt, %jit3A, %sign3A_7 : i32
    %sign3A_9 = arith.extui %sign3A_8 : i1 to i32
    %sign3A_10 = arith.constant 0 : i32
    %sign3A_11 = arith.cmpi slt, %jit3A, %sign3A_10 : i32
    %sign3A_12 = arith.extui %sign3A_11 : i1 to i32
    %sign3A_13 = arith.subi %sign3A_9, %sign3A_12 : i32
    %ne3A = arith.cmpi ne, %sign3A_6, %sign3A_13 : i32
    %rem3A = arith.remsi %add3A, %jit3A : i32
    %ne3A_14 = arith.constant 0 : i32
    %ne3A_15 = arith.cmpi ne, %rem3A, %ne3A_14 : i32
    %and3A = arith.andi %ne3A, %ne3A_15 : i1
    %sub3A = arith.constant 1 : i32
    %sub3A_16 = arith.subi %div3A, %sub3A : i32
    %select_n3A = arith.select %and3A, %sub3A_16, %div3A : i32
    %jit3A_17 = arith.constant 2 : i32
    %div3A_18 = arith.divsi %select_n3A, %jit3A_17 : i32
    %sign3A_19 = arith.constant 0 : i32
    %sign3A_20 = arith.cmpi sgt, %select_n3A, %sign3A_19 : i32
    %sign3A_21 = arith.extui %sign3A_20 : i1 to i32
    %sign3A_22 = arith.constant 0 : i32
    %sign3A_23 = arith.cmpi slt, %select_n3A, %sign3A_22 : i32
    %sign3A_24 = arith.extui %sign3A_23 : i1 to i32
    %sign3A_25 = arith.subi %sign3A_21, %sign3A_24 : i32
    %sign3A_26 = arith.constant 0 : i32
    %sign3A_27 = arith.cmpi sgt, %jit3A_17, %sign3A_26 : i32
    %sign3A_28 = arith.extui %sign3A_27 : i1 to i32
    %sign3A_29 = arith.constant 0 : i32
    %sign3A_30 = arith.cmpi slt, %jit3A_17, %sign3A_29 : i32
    %sign3A_31 = arith.extui %sign3A_30 : i1 to i32
    %sign3A_32 = arith.subi %sign3A_28, %sign3A_31 : i32
    %ne3A_33 = arith.cmpi ne, %sign3A_25, %sign3A_32 : i32
    %rem3A_34 = arith.remsi %select_n3A, %jit3A_17 : i32
    %ne3A_35 = arith.constant 0 : i32
    %ne3A_36 = arith.cmpi ne, %rem3A_34, %ne3A_35 : i32
    %and3A_37 = arith.andi %ne3A_33, %ne3A_36 : i1
    %sub3A_38 = arith.constant 1 : i32
    %sub3A_39 = arith.subi %div3A_18, %sub3A_38 : i32
    %select_n3A_40 = arith.select %and3A_37, %sub3A_39, %div3A_18 : i32
    %jit3A_41 = arith.constant 4 : i32
    %eq3A = arith.constant 0 : i32
    %eq3A_42 = arith.cmpi eq, %jit3A_41, %eq3A : i32
    %jit3A_43 = arith.constant 1 : i32
    %select_n3A_44 = arith.select %eq3A_42, %jit3A_43, %jit3A_41 : i32
    %rem3A_45 = arith.remsi %add3A, %select_n3A_44 : i32
    %ne3A_46 = arith.constant 0 : i32
    %ne3A_47 = arith.cmpi ne, %rem3A_45, %ne3A_46 : i32
    %lt3A = arith.constant 0 : i32
    %lt3A_48 = arith.cmpi slt, %rem3A_45, %lt3A : i32
    %lt3A_49 = arith.constant 0 : i32
    %lt3A_50 = arith.cmpi slt, %select_n3A_44, %lt3A_49 : i32
    %ne3A_51 = arith.xori %lt3A_48, %lt3A_50 : i1
    %and3A_52 = arith.andi %ne3A_51, %ne3A_47 : i1
    %add3A_53 = arith.addi %rem3A_45, %select_n3A_44 : i32
    %select_n3A_54 = arith.select %and3A_52, %add3A_53, %rem3A_45 : i32
    %mul3A_55 = arith.constant 6144 : i32
    %mul3A_56 = arith.muli %select_n3A_54, %mul3A_55 : i32
    %add3A_57 = arith.constant 40960 : i32
    %add3A_58 = arith.addi %add3A_57, %mul3A_56 : i32
    "tpu.region"() ({
      %run_scoped3A = tpu.sem_alloc : memref<!tpu.dma_semaphore, #tpu.memory_space<semaphore_mem>>
      tpu.enqueue_dma source(%arg4 : memref<16xf32, #tpu.memory_space<hbm>>) target(%arg11 : memref<16xf32, #tpu.memory_space<vmem>>) target_semaphore(%run_scoped3A : memref<!tpu.dma_semaphore, #tpu.memory_space<semaphore_mem>>)
      tpu.wait_dma2 semaphore(%run_scoped3A : memref<!tpu.dma_semaphore, #tpu.memory_space<semaphore_mem>>) src(%arg4 : memref<16xf32, #tpu.memory_space<hbm>>) dst(%arg11 : memref<16xf32, #tpu.memory_space<vmem>>)
      tpu.yield
    }) : () -> ()
    "tpu.region"() ({
      %run_scoped3A = tpu.sem_alloc : memref<!tpu.dma_semaphore, #tpu.memory_space<semaphore_mem>>
      %dma_start3A_102 = tpu.memref_slice %arg2[%select_n3A_40, %add3A_58] : memref<4x65536xf32, #tpu.memory_space<hbm>> -> memref<1x6144xf32, #tpu.memory_space<hbm>>
      %dma_start3A_103 = tpu.memref_squeeze %dma_start3A_102 : memref<1x6144xf32, #tpu.memory_space<hbm>> -> memref<6144xf32, #tpu.memory_space<hbm>>
      %dma_start3A_104 = tpu.memref_slice %arg2[%select_n3A_40, %add3A_58] : memref<4x65536xf32, #tpu.memory_space<hbm>> -> memref<1x6144xf32, #tpu.memory_space<hbm>>
      %dma_start3A_105 = tpu.memref_squeeze %dma_start3A_104 : memref<1x6144xf32, #tpu.memory_space<hbm>> -> memref<6144xf32, #tpu.memory_space<hbm>>
      tpu.enqueue_dma source(%dma_start3A_105 : memref<6144xf32, #tpu.memory_space<hbm>>) target(%arg8 : memref<6144xf32, #tpu.memory_space<vmem>>) target_semaphore(%run_scoped3A : memref<!tpu.dma_semaphore, #tpu.memory_space<semaphore_mem>>)
      %dma_wait3A = tpu.memref_slice %arg2[%select_n3A_40, %add3A_58] : memref<4x65536xf32, #tpu.memory_space<hbm>> -> memref<1x6144xf32, #tpu.memory_space<hbm>>
      %dma_wait3A_106 = tpu.memref_squeeze %dma_wait3A : memref<1x6144xf32, #tpu.memory_space<hbm>> -> memref<6144xf32, #tpu.memory_space<hbm>>
      %dma_wait3A_107 = tpu.memref_slice %arg2[%select_n3A_40, %add3A_58] : memref<4x65536xf32, #tpu.memory_space<hbm>> -> memref<1x6144xf32, #tpu.memory_space<hbm>>
      %dma_wait3A_108 = tpu.memref_squeeze %dma_wait3A_107 : memref<1x6144xf32, #tpu.memory_space<hbm>> -> memref<6144xf32, #tpu.memory_space<hbm>>
      tpu.wait_dma2 semaphore(%run_scoped3A : memref<!tpu.dma_semaphore, #tpu.memory_space<semaphore_mem>>) src(%dma_wait3A_108 : memref<6144xf32, #tpu.memory_space<hbm>>) dst(%arg8 : memref<6144xf32, #tpu.memory_space<vmem>>)
      tpu.yield
    }) : () -> ()
    %get3A = arith.constant 0 : index
    %get3A_59 = tpu.vector_load %arg11[%get3A] {strides = array<i32>} : memref<16xf32, #tpu.memory_space<vmem>>, vector<16xf32>,
    %get3A_60 = vector.shape_cast %get3A_59 : vector<16xf32> to vector<16xf32>
    %slice3A = vector.extract_strided_slice %get3A_60 {offsets = [0], sizes = [1], strides = [1]} : vector<16xf32> to vector<1xf32>
    %squeeze3A = vector.extract %slice3A[0] : f32 from vector<1xf32>
    %slice3A_61 = vector.extract_strided_slice %get3A_60 {offsets = [1], sizes = [1], strides = [1]} : vector<16xf32> to vector<1xf32>
    %squeeze3A_62 = vector.extract %slice3A_61[0] : f32 from vector<1xf32>
    %add3A_63 = arith.constant 0 : i32
    %add3A_64 = arith.addi %add3A_58, %add3A_63 : i32
    %dma_start3A = arith.constant 0 : i32
    %dma_start3A_65 = arith.constant 0 : i32
    %dma_start3A_66 = arith.constant 0 : i32
    %dma_start3A_67 = tpu.memref_slice %arg7[%dma_start3A, %dma_start3A_65, %dma_start3A_66] : memref<2x64x512xf32, #tpu.memory_space<vmem>> -> memref<1x64x512xf32, #tpu.memory_space<vmem>>
    %dma_start3A_68 = tpu.memref_squeeze %dma_start3A_67 : memref<1x64x512xf32, #tpu.memory_space<vmem>> -> memref<64x512xf32, #tpu.memory_space<vmem>>
    %dma_start3A_69 = arith.constant 0 : i32
    %dma_start3A_70 = tpu.memref_slice %arg3[%select_n3A, %dma_start3A_69, %add3A_64] : memref<8x64x65536xf32, #tpu.memory_space<hbm>> -> memref<1x64x512xf32, #tpu.memory_space<hbm>>
    %dma_start3A_71 = tpu.memref_squeeze %dma_start3A_70 : memref<1x64x512xf32, #tpu.memory_space<hbm>> -> memref<64x512xf32, #tpu.memory_space<hbm>>
    %dma_start3A_72 = arith.constant 0 : i32
    %dma_start3A_73 = arith.constant 0 : i32
    %dma_start3A_74 = tpu.memref_slice %arg7[%dma_start3A, %dma_start3A_72, %dma_start3A_73] : memref<2x64x512xf32, #tpu.memory_space<vmem>> -> memref<1x64x512xf32, #tpu.memory_space<vmem>>
    %dma_start3A_75 = tpu.memref_squeeze %dma_start3A_74 : memref<1x64x512xf32, #tpu.memory_space<vmem>> -> memref<64x512xf32, #tpu.memory_space<vmem>>
    %dma_start3A_76 = arith.constant 0 : i32
    %dma_start3A_77 = tpu.memref_slice %arg3[%select_n3A, %dma_start3A_76, %add3A_64] : memref<8x64x65536xf32, #tpu.memory_space<hbm>> -> memref<1x64x512xf32, #tpu.memory_space<hbm>>
    %dma_start3A_78 = tpu.memref_squeeze %dma_start3A_77 : memref<1x64x512xf32, #tpu.memory_space<hbm>> -> memref<64x512xf32, #tpu.memory_space<hbm>>
    tpu.enqueue_dma source(%dma_start3A_78 : memref<64x512xf32, #tpu.memory_space<hbm>>) target(%dma_start3A_75 : memref<64x512xf32, #tpu.memory_space<vmem>>) target_semaphore(%arg12 : memref<!tpu.dma_semaphore, #tpu.memory_space<semaphore_mem>>)
    %add3A_79 = arith.constant 512 : i32
    %add3A_80 = arith.addi %add3A_58, %add3A_79 : i32
    %dma_start3A_81 = arith.constant 1 : i32
    %dma_start3A_82 = arith.constant 0 : i32
    %dma_start3A_83 = arith.constant 0 : i32
    %dma_start3A_84 = tpu.memref_slice %arg7[%dma_start3A_81, %dma_start3A_82, %dma_start3A_83] : memref<2x64x512xf32, #tpu.memory_space<vmem>> -> memref<1x64x512xf32, #tpu.memory_space<vmem>>
    %dma_start3A_85 = tpu.memref_squeeze %dma_start3A_84 : memref<1x64x512xf32, #tpu.memory_space<vmem>> -> memref<64x512xf32, #tpu.memory_space<vmem>>
    %dma_start3A_86 = arith.constant 0 : i32
    %dma_start3A_87 = tpu.memref_slice %arg3[%select_n3A, %dma_start3A_86, %add3A_80] : memref<8x64x65536xf32, #tpu.memory_space<hbm>> -> memref<1x64x512xf32, #tpu.memory_space<hbm>>
    %dma_start3A_88 = tpu.memref_squeeze %dma_start3A_87 : memref<1x64x512xf32, #tpu.memory_space<hbm>> -> memref<64x512xf32, #tpu.memory_space<hbm>>
    %dma_start3A_89 = arith.constant 0 : i32
    %dma_start3A_90 = arith.constant 0 : i32
    %dma_start3A_91 = tpu.memref_slice %arg7[%dma_start3A_81, %dma_start3A_89, %dma_start3A_90] : memref<2x64x512xf32, #tpu.memory_space<vmem>> -> memref<1x64x512xf32, #tpu.memory_space<vmem>>
    %dma_start3A_92 = tpu.memref_squeeze %dma_start3A_91 : memref<1x64x512xf32, #tpu.memory_space<vmem>> -> memref<64x512xf32, #tpu.memory_space<vmem>>
    %dma_start3A_93 = arith.constant 0 : i32
    %dma_start3A_94 = tpu.memref_slice %arg3[%select_n3A, %dma_start3A_93, %add3A_80] : memref<8x64x65536xf32, #tpu.memory_space<hbm>> -> memref<1x64x512xf32, #tpu.memory_space<hbm>>
    %dma_start3A_95 = tpu.memref_squeeze %dma_start3A_94 : memref<1x64x512xf32, #tpu.memory_space<hbm>> -> memref<64x512xf32, #tpu.memory_space<hbm>>
    tpu.enqueue_dma source(%dma_start3A_95 : memref<64x512xf32, #tpu.memory_space<hbm>>) target(%dma_start3A_92 : memref<64x512xf32, #tpu.memory_space<vmem>>) target_semaphore(%arg13 : memref<!tpu.dma_semaphore, #tpu.memory_space<semaphore_mem>>)
    %scan3A = arith.constant 0 : i32
    %scan3A_96 = arith.constant 0 : i32
    %scan3A_97 = arith.constant 6 : i32
    %scan3A_98 = arith.addi %scan3A_96, %scan3A_97 : i32
    %scan3A_99 = arith.constant 1 : i32
    %scan3A_100 = scf.for %scan3A_102 = %scan3A_96 to %scan3A_98 step %scan3A_99 iter_args(%scan3A_103 = %scan3A) -> (i32)  : i32 {
      %mul3A_104 = arith.constant 2 : i32
      %mul3A_105 = arith.muli %scan3A_102, %mul3A_104 : i32
      %dma_wait3A = arith.constant 0 : i32
      %dma_wait3A_106 = arith.constant 0 : i32
      %dma_wait3A_107 = arith.constant 0 : i32
      %dma_wait3A_108 = tpu.memref_slice %arg7[%dma_wait3A, %dma_wait3A_106, %dma_wait3A_107] : memref<2x64x512xf32, #tpu.memory_space<vmem>> -> memref<1x64x512xf32, #tpu.memory_space<vmem>>
      %dma_wait3A_109 = tpu.memref_squeeze %dma_wait3A_108 : memref<1x64x512xf32, #tpu.memory_space<vmem>> -> memref<64x512xf32, #tpu.memory_space<vmem>>
      %dma_wait3A_110 = arith.constant 0 : i32
      %dma_wait3A_111 = tpu.memref_slice %arg3[%select_n3A, %dma_wait3A_110, %add3A_58] : memref<8x64x65536xf32, #tpu.memory_space<hbm>> -> memref<1x64x512xf32, #tpu.memory_space<hbm>>
      %dma_wait3A_112 = tpu.memref_squeeze %dma_wait3A_111 : memref<1x64x512xf32, #tpu.memory_space<hbm>> -> memref<64x512xf32, #tpu.memory_space<hbm>>
      %dma_wait3A_113 = arith.constant 0 : i32
      %dma_wait3A_114 = arith.constant 0 : i32
      %dma_wait3A_115 = tpu.memref_slice %arg7[%dma_wait3A, %dma_wait3A_113, %dma_wait3A_114] : memref<2x64x512xf32, #tpu.memory_space<vmem>> -> memref<1x64x512xf32, #tpu.memory_space<vmem>>
      %dma_wait3A_116 = tpu.memref_squeeze %dma_wait3A_115 : memref<1x64x512xf32, #tpu.memory_space<vmem>> -> memref<64x512xf32, #tpu.memory_space<vmem>>
      %dma_wait3A_117 = arith.constant 0 : i32
      %dma_wait3A_118 = tpu.memref_slice %arg3[%select_n3A, %dma_wait3A_117, %add3A_58] : memref<8x64x65536xf32, #tpu.memory_space<hbm>> -> memref<1x64x512xf32, #tpu.memory_space<hbm>>
      %dma_wait3A_119 = tpu.memref_squeeze %dma_wait3A_118 : memref<1x64x512xf32, #tpu.memory_space<hbm>> -> memref<64x512xf32, #tpu.memory_space<hbm>>
      tpu.wait_dma2 semaphore(%arg12 : memref<!tpu.dma_semaphore, #tpu.memory_space<semaphore_mem>>) src(%dma_wait3A_119 : memref<64x512xf32, #tpu.memory_space<hbm>>) dst(%dma_wait3A_116 : memref<64x512xf32, #tpu.memory_space<vmem>>)
      %mul3A_120 = arith.constant 512 : i32
      %mul3A_121 = arith.muli %mul3A_105, %mul3A_120 : i32
      %scan3A_122 = arith.constant 0 : i32
      %scan3A_123 = arith.constant 0 : i32
      %scan3A_124 = arith.constant 32 : i32
      %scan3A_125 = arith.addi %scan3A_123, %scan3A_124 : i32
      %scan3A_126 = arith.constant 1 : i32
      %scan3A_127 = scf.for %scan3A_168 = %scan3A_123 to %scan3A_125 step %scan3A_126 iter_args(%scan3A_169 = %scan3A_122) -> (i32)  : i32 {
        %mul3A_170 = arith.constant 16 : i32
        %mul3A_171 = arith.muli %scan3A_168, %mul3A_170 : i32
        %add3A_172 = arith.addi %mul3A_121, %mul3A_171 : i32
        %get3A_173 = arith.index_cast %add3A_172 : i32 to index
        %get3A_174 = tpu.vector_load %arg8[%get3A_173] {strides = array<i32>} : memref<6144xf32, #tpu.memory_space<vmem>>, vector<16xf32>,
        %get3A_175 = vector.shape_cast %get3A_174 : vector<16xf32> to vector<16xf32>
        %broadcast_in_dim3A = arith.constant 0xFF800000 : f32
        %broadcast_in_dim3A_176 = vector.broadcast %broadcast_in_dim3A : f32 to vector<16xf32>
        %broadcast_in_dim3A_177 = arith.constant 0 : i32
        %broadcast_in_dim3A_178 = vector.broadcast %broadcast_in_dim3A_177 : i32 to vector<16xi32>
        %scan3A_179 = arith.constant 0 : i32
        %scan3A_180 = arith.constant 64 : i32
        %scan3A_181 = arith.addi %scan3A_179, %scan3A_180 : i32
        %scan3A_182 = arith.constant 8 : i32
        %scan3A_183:3 = scf.for %scan3A_198 = %scan3A_179 to %scan3A_181 step %scan3A_182 iter_args(%scan3A_199 = %broadcast_in_dim3A_176, %scan3A_200 = %broadcast_in_dim3A_176, %scan3A_201 = %broadcast_in_dim3A_178) -> (vector<16xf32>, vector<16xf32>, vector<16xi32>)  : i32 {
          %mul3A_202 = arith.constant 16 : i32
          %mul3A_203 = arith.muli %scan3A_168, %mul3A_202 : i32
          %get3A_204 = arith.constant 0 : i32
          %get3A_205 = arith.index_cast %get3A_204 : i32 to index
          %get3A_206 = arith.index_cast %scan3A_198 : i32 to index
          %get3A_207 = arith.index_cast %mul3A_203 : i32 to index
          %get3A_208 = tpu.vector_load %arg7[%get3A_205, %get3A_206, %get3A_207] {strides = array<i32>} : memref<2x64x512xf32, #tpu.memory_space<vmem>>, vector<1x1x16xf32>,
          %get3A_209 = vector.shape_cast %get3A_208 : vector<1x1x16xf32> to vector<16xf32>
          %mul3A_210 = arith.mulf %get3A_209, %get3A_175 : vector<16xf32>
          %gt3A = arith.cmpf ogt, %mul3A_210, %scan3A_199 : vector<16xf32>
          %min3A = arith.minimumf %mul3A_210, %scan3A_199 : vector<16xf32>
          %max3A = arith.maximumf %scan3A_200, %min3A : vector<16xf32>
          %broadcast_in_dim3A_211 = arith.constant 0 : i32
          %broadcast_in_dim3A_212 = vector.broadcast %broadcast_in_dim3A_211 : i32 to vector<16xi32>
          %add3A_213 = vector.broadcast %scan3A_198 : i32 to vector<16xi32>
          %add3A_214 = arith.addi %broadcast_in_dim3A_212, %add3A_213 : vector<16xi32>
          %select_n3A_215 = arith.select %gt3A, %add3A_214, %scan3A_201 : vector<16xi1>, vector<16xi32>
          %max3A_216 = arith.maximumf %scan3A_199, %mul3A_210 : vector<16xf32>
          %scan3A_217 = arith.constant 1 : i32
          %scan3A_218 = arith.addi %scan3A_198, %scan3A_217 : i32
          %mul3A_219 = arith.constant 16 : i32
          %mul3A_220 = arith.muli %scan3A_168, %mul3A_219 : i32
          %get3A_221 = arith.constant 0 : i32
          %get3A_222 = arith.index_cast %get3A_221 : i32 to index
          %get3A_223 = arith.index_cast %scan3A_218 : i32 to index
          %get3A_224 = arith.index_cast %mul3A_220 : i32 to index
          %get3A_225 = tpu.vector_load %arg7[%get3A_222, %get3A_223, %get3A_224] {strides = array<i32>} : memref<2x64x512xf32, #tpu.memory_space<vmem>>, vector<1x1x16xf32>,
          %get3A_226 = vector.shape_cast %get3A_225 : vector<1x1x16xf32> to vector<16xf32>
          %mul3A_227 = arith.mulf %get3A_226, %get3A_175 : vector<16xf32>
          %gt3A_228 = arith.cmpf ogt, %mul3A_227, %max3A_216 : vector<16xf32>
          %min3A_229 = arith.minimumf %mul3A_227, %max3A_216 : vector<16xf32>
          %max3A_230 = arith.maximumf %max3A, %min3A_229 : vector<16xf32>
          %broadcast_in_dim3A_231 = arith.constant 0 : i32
          %broadcast_in_dim3A_232 = vector.broadcast %broadcast_in_dim3A_231 : i32 to vector<16xi32>
          %add3A_233 = vector.broadcast %scan3A_218 : i32 to vector<16xi32>
          %add3A_234 = arith.addi %broadcast_in_dim3A_232, %add3A_233 : vector<16xi32>
          %select_n3A_235 = arith.select %gt3A_228, %add3A_234, %select_n3A_215 : vector<16xi1>, vector<16xi32>
          %max3A_236 = arith.maximumf %max3A_216, %mul3A_227 : vector<16xf32>
          %scan3A_237 = arith.constant 2 : i32
          %scan3A_238 = arith.addi %scan3A_198, %scan3A_237 : i32
          %mul3A_239 = arith.constant 16 : i32
          %mul3A_240 = arith.muli %scan3A_168, %mul3A_239 : i32
          %get3A_241 = arith.constant 0 : i32
          %get3A_242 = arith.index_cast %get3A_241 : i32 to index
          %get3A_243 = arith.index_cast %scan3A_238 : i32 to index
          %get3A_244 = arith.index_cast %mul3A_240 : i32 to index
          %get3A_245 = tpu.vector_load %arg7[%get3A_242, %get3A_243, %get3A_244] {strides = array<i32>} : memref<2x64x512xf32, #tpu.memory_space<vmem>>, vector<1x1x16xf32>,
          %get3A_246 = vector.shape_cast %get3A_245 : vector<1x1x16xf32> to vector<16xf32>
          %mul3A_247 = arith.mulf %get3A_246, %get3A_175 : vector<16xf32>
          %gt3A_248 = arith.cmpf ogt, %mul3A_247, %max3A_236 : vector<16xf32>
          %min3A_249 = arith.minimumf %mul3A_247, %max3A_236 : vector<16xf32>
          %max3A_250 = arith.maximumf %max3A_230, %min3A_249 : vector<16xf32>
          %broadcast_in_dim3A_251 = arith.constant 0 : i32
          %broadcast_in_dim3A_252 = vector.broadcast %broadcast_in_dim3A_251 : i32 to vector<16xi32>
          %add3A_253 = vector.broadcast %scan3A_238 : i32 to vector<16xi32>
          %add3A_254 = arith.addi %broadcast_in_dim3A_252, %add3A_253 : vector<16xi32>
          %select_n3A_255 = arith.select %gt3A_248, %add3A_254, %select_n3A_235 : vector<16xi1>, vector<16xi32>
          %max3A_256 = arith.maximumf %max3A_236, %mul3A_247 : vector<16xf32>
          %scan3A_257 = arith.constant 3 : i32
          %scan3A_258 = arith.addi %scan3A_198, %scan3A_257 : i32
          %mul3A_259 = arith.constant 16 : i32
          %mul3A_260 = arith.muli %scan3A_168, %mul3A_259 : i32
          %get3A_261 = arith.constant 0 : i32
          %get3A_262 = arith.index_cast %get3A_261 : i32 to index
          %get3A_263 = arith.index_cast %scan3A_258 : i32 to index
          %get3A_264 = arith.index_cast %mul3A_260 : i32 to index
          %get3A_265 = tpu.vector_load %arg7[%get3A_262, %get3A_263, %get3A_264] {strides = array<i32>} : memref<2x64x512xf32, #tpu.memory_space<vmem>>, vector<1x1x16xf32>,
          %get3A_266 = vector.shape_cast %get3A_265 : vector<1x1x16xf32> to vector<16xf32>
          %mul3A_267 = arith.mulf %get3A_266, %get3A_175 : vector<16xf32>
          %gt3A_268 = arith.cmpf ogt, %mul3A_267, %max3A_256 : vector<16xf32>
          %min3A_269 = arith.minimumf %mul3A_267, %max3A_256 : vector<16xf32>
          %max3A_270 = arith.maximumf %max3A_250, %min3A_269 : vector<16xf32>
          %broadcast_in_dim3A_271 = arith.constant 0 : i32
          %broadcast_in_dim3A_272 = vector.broadcast %broadcast_in_dim3A_271 : i32 to vector<16xi32>
          %add3A_273 = vector.broadcast %scan3A_258 : i32 to vector<16xi32>
          %add3A_274 = arith.addi %broadcast_in_dim3A_272, %add3A_273 : vector<16xi32>
          %select_n3A_275 = arith.select %gt3A_268, %add3A_274, %select_n3A_255 : vector<16xi1>, vector<16xi32>
          %max3A_276 = arith.maximumf %max3A_256, %mul3A_267 : vector<16xf32>
          %scan3A_277 = arith.constant 4 : i32
          %scan3A_278 = arith.addi %scan3A_198, %scan3A_277 : i32
          %mul3A_279 = arith.constant 16 : i32
          %mul3A_280 = arith.muli %scan3A_168, %mul3A_279 : i32
          %get3A_281 = arith.constant 0 : i32
          %get3A_282 = arith.index_cast %get3A_281 : i32 to index
          %get3A_283 = arith.index_cast %scan3A_278 : i32 to index
          %get3A_284 = arith.index_cast %mul3A_280 : i32 to index
          %get3A_285 = tpu.vector_load %arg7[%get3A_282, %get3A_283, %get3A_284] {strides = array<i32>} : memref<2x64x512xf32, #tpu.memory_space<vmem>>, vector<1x1x16xf32>,
          %get3A_286 = vector.shape_cast %get3A_285 : vector<1x1x16xf32> to vector<16xf32>
          %mul3A_287 = arith.mulf %get3A_286, %get3A_175 : vector<16xf32>
          %gt3A_288 = arith.cmpf ogt, %mul3A_287, %max3A_276 : vector<16xf32>
          %min3A_289 = arith.minimumf %mul3A_287, %max3A_276 : vector<16xf32>
          %max3A_290 = arith.maximumf %max3A_270, %min3A_289 : vector<16xf32>
          %broadcast_in_dim3A_291 = arith.constant 0 : i32
          %broadcast_in_dim3A_292 = vector.broadcast %broadcast_in_dim3A_291 : i32 to vector<16xi32>
          %add3A_293 = vector.broadcast %scan3A_278 : i32 to vector<16xi32>
          %add3A_294 = arith.addi %broadcast_in_dim3A_292, %add3A_293 : vector<16xi32>
          %select_n3A_295 = arith.select %gt3A_288, %add3A_294, %select_n3A_275 : vector<16xi1>, vector<16xi32>
          %max3A_296 = arith.maximumf %max3A_276, %mul3A_287 : vector<16xf32>
          %scan3A_297 = arith.constant 5 : i32
          %scan3A_298 = arith.addi %scan3A_198, %scan3A_297 : i32
          %mul3A_299 = arith.constant 16 : i32
          %mul3A_300 = arith.muli %scan3A_168, %mul3A_299 : i32
          %get3A_301 = arith.constant 0 : i32
          %get3A_302 = arith.index_cast %get3A_301 : i32 to index
          %get3A_303 = arith.index_cast %scan3A_298 : i32 to index
          %get3A_304 = arith.index_cast %mul3A_300 : i32 to index
          %get3A_305 = tpu.vector_load %arg7[%get3A_302, %get3A_303, %get3A_304] {strides = array<i32>} : memref<2x64x512xf32, #tpu.memory_space<vmem>>, vector<1x1x16xf32>,
          %get3A_306 = vector.shape_cast %get3A_305 : vector<1x1x16xf32> to vector<16xf32>
          %mul3A_307 = arith.mulf %get3A_306, %get3A_175 : vector<16xf32>
          %gt3A_308 = arith.cmpf ogt, %mul3A_307, %max3A_296 : vector<16xf32>
          %min3A_309 = arith.minimumf %mul3A_307, %max3A_296 : vector<16xf32>
          %max3A_310 = arith.maximumf %max3A_290, %min3A_309 : vector<16xf32>
          %broadcast_in_dim3A_311 = arith.constant 0 : i32
          %broadcast_in_dim3A_312 = vector.broadcast %broadcast_in_dim3A_311 : i32 to vector<16xi32>
          %add3A_313 = vector.broadcast %scan3A_298 : i32 to vector<16xi32>
          %add3A_314 = arith.addi %broadcast_in_dim3A_312, %add3A_313 : vector<16xi32>
          %select_n3A_315 = arith.select %gt3A_308, %add3A_314, %select_n3A_295 : vector<16xi1>, vector<16xi32>
          %max3A_316 = arith.maximumf %max3A_296, %mul3A_307 : vector<16xf32>
          %scan3A_317 = arith.constant 6 : i32
          %scan3A_318 = arith.addi %scan3A_198, %scan3A_317 : i32
          %mul3A_319 = arith.constant 16 : i32
          %mul3A_320 = arith.muli %scan3A_168, %mul3A_319 : i32
          %get3A_321 = arith.constant 0 : i32
          %get3A_322 = arith.index_cast %get3A_321 : i32 to index
          %get3A_323 = arith.index_cast %scan3A_318 : i32 to index
          %get3A_324 = arith.index_cast %mul3A_320 : i32 to index
          %get3A_325 = tpu.vector_load %arg7[%get3A_322, %get3A_323, %get3A_324] {strides = array<i32>} : memref<2x64x512xf32, #tpu.memory_space<vmem>>, vector<1x1x16xf32>,
          %get3A_326 = vector.shape_cast %get3A_325 : vector<1x1x16xf32> to vector<16xf32>
          %mul3A_327 = arith.mulf %get3A_326, %get3A_175 : vector<16xf32>
          %gt3A_328 = arith.cmpf ogt, %mul3A_327, %max3A_316 : vector<16xf32>
          %min3A_329 = arith.minimumf %mul3A_327, %max3A_316 : vector<16xf32>
          %max3A_330 = arith.maximumf %max3A_310, %min3A_329 : vector<16xf32>
          %broadcast_in_dim3A_331 = arith.constant 0 : i32
          %broadcast_in_dim3A_332 = vector.broadcast %broadcast_in_dim3A_331 : i32 to vector<16xi32>
          %add3A_333 = vector.broadcast %scan3A_318 : i32 to vector<16xi32>
          %add3A_334 = arith.addi %broadcast_in_dim3A_332, %add3A_333 : vector<16xi32>
          %select_n3A_335 = arith.select %gt3A_328, %add3A_334, %select_n3A_315 : vector<16xi1>, vector<16xi32>
          %max3A_336 = arith.maximumf %max3A_316, %mul3A_327 : vector<16xf32>
          %scan3A_337 = arith.constant 7 : i32
          %scan3A_338 = arith.addi %scan3A_198, %scan3A_337 : i32
          %mul3A_339 = arith.constant 16 : i32
          %mul3A_340 = arith.muli %scan3A_168, %mul3A_339 : i32
          %get3A_341 = arith.constant 0 : i32
          %get3A_342 = arith.index_cast %get3A_341 : i32 to index
          %get3A_343 = arith.index_cast %scan3A_338 : i32 to index
          %get3A_344 = arith.index_cast %mul3A_340 : i32 to index
          %get3A_345 = tpu.vector_load %arg7[%get3A_342, %get3A_343, %get3A_344] {strides = array<i32>} : memref<2x64x512xf32, #tpu.memory_space<vmem>>, vector<1x1x16xf32>,
          %get3A_346 = vector.shape_cast %get3A_345 : vector<1x1x16xf32> to vector<16xf32>
          %mul3A_347 = arith.mulf %get3A_346, %get3A_175 : vector<16xf32>
          %gt3A_348 = arith.cmpf ogt, %mul3A_347, %max3A_336 : vector<16xf32>
          %min3A_349 = arith.minimumf %mul3A_347, %max3A_336 : vector<16xf32>
          %max3A_350 = arith.maximumf %max3A_330, %min3A_349 : vector<16xf32>
          %broadcast_in_dim3A_351 = arith.constant 0 : i32
          %broadcast_in_dim3A_352 = vector.broadcast %broadcast_in_dim3A_351 : i32 to vector<16xi32>
          %add3A_353 = vector.broadcast %scan3A_338 : i32 to vector<16xi32>
          %add3A_354 = arith.addi %broadcast_in_dim3A_352, %add3A_353 : vector<16xi32>
          %select_n3A_355 = arith.select %gt3A_348, %add3A_354, %select_n3A_335 : vector<16xi1>, vector<16xi32>
          %max3A_356 = arith.maximumf %max3A_336, %mul3A_347 : vector<16xf32>
          scf.yield %max3A_356, %max3A_350, %select_n3A_355 : vector<16xf32>, vector<16xf32>, vector<16xi32>
        }
        %scan3A_184 = arith.constant 64 : i32
        %mul3A_185 = vector.broadcast %squeeze3A : f32 to vector<16xf32>
        %mul3A_186 = arith.mulf %scan3A_183#0, %mul3A_185 : vector<16xf32>
        %mul3A_187 = vector.broadcast %squeeze3A_62 : f32 to vector<16xf32>
        %mul3A_188 = arith.mulf %scan3A_183#1, %mul3A_187 : vector<16xf32>
        %add3A_189 = arith.addf %mul3A_186, %mul3A_188 : vector<16xf32>
        %swap3A = arith.index_cast %add3A_172 : i32 to index
        %swap3A_190 = tpu.vector_load %arg9[%swap3A] {strides = array<i32>} : memref<6144xf32, #tpu.memory_space<vmem>>, vector<16xf32>,
        %swap3A_191 = vector.shape_cast %swap3A_190 : vector<16xf32> to vector<16xf32>
        %swap3A_192 = vector.shape_cast %add3A_189 : vector<16xf32> to vector<16xf32>
        tpu.vector_store %arg9[%swap3A], %swap3A_192 {strides = array<i32>} : memref<6144xf32, #tpu.memory_space<vmem>>, vector<16xf32>,
        %swap3A_193 = arith.index_cast %add3A_172 : i32 to index
        %swap3A_194 = tpu.vector_load %arg10[%swap3A_193] {strides = array<i32>} : memref<6144xi32, #tpu.memory_space<vmem>>, vector<16xi32>,
        %swap3A_195 = vector.shape_cast %swap3A_194 : vector<16xi32> to vector<16xi32>
        %swap3A_196 = vector.shape_cast %scan3A_183#2 : vector<16xi32> to vector<16xi32>
        tpu.vector_store %arg10[%swap3A_193], %swap3A_196 {strides = array<i32>} : memref<6144xi32, #tpu.memory_space<vmem>>, vector<16xi32>,
        %scan3A_197 = arith.constant 0 : i32
        scf.yield %scan3A_197 : i32
      }
      %scan3A_128 = arith.constant 32 : i32
      %add3A_129 = arith.constant 2 : i32
      %add3A_130 = arith.addi %mul3A_105, %add3A_129 : i32
      %lt3A_131 = arith.constant 12 : i32
      %lt3A_132 = arith.cmpi slt, %add3A_130, %lt3A_131 : i32
      %convert_element_type3A = arith.extui %lt3A_132 : i1 to i32
      %cond3A = arith.constant 0 : i32
      %cond3A_133 = arith.cmpi ne, %convert_element_type3A, %cond3A : i32
      scf.if %cond3A_133 {
        %add3A_168 = arith.constant 2 : i32
        %add3A_169 = arith.addi %mul3A_105, %add3A_168 : i32
        %mul3A_170 = arith.constant 512 : i32
        %mul3A_171 = arith.muli %add3A_169, %mul3A_170 : i32
        %add3A_172 = arith.addi %add3A_58, %mul3A_171 : i32
        %dma_start3A_173 = arith.constant 0 : i32
        %dma_start3A_174 = arith.constant 0 : i32
        %dma_start3A_175 = arith.constant 0 : i32
        %dma_start3A_176 = tpu.memref_slice %arg7[%dma_start3A_173, %dma_start3A_174, %dma_start3A_175] : memref<2x64x512xf32, #tpu.memory_space<vmem>> -> memref<1x64x512xf32, #tpu.memory_space<vmem>>
        %dma_start3A_177 = tpu.memref_squeeze %dma_start3A_176 : memref<1x64x512xf32, #tpu.memory_space<vmem>> -> memref<64x512xf32, #tpu.memory_space<vmem>>
        %dma_start3A_178 = arith.constant 0 : i32
        %dma_start3A_179 = tpu.memref_slice %arg3[%select_n3A, %dma_start3A_178, %add3A_172] : memref<8x64x65536xf32, #tpu.memory_space<hbm>> -> memref<1x64x512xf32, #tpu.memory_space<hbm>>
        %dma_start3A_180 = tpu.memref_squeeze %dma_start3A_179 : memref<1x64x512xf32, #tpu.memory_space<hbm>> -> memref<64x512xf32, #tpu.memory_space<hbm>>
        %dma_start3A_181 = arith.constant 0 : i32
        %dma_start3A_182 = arith.constant 0 : i32
        %dma_start3A_183 = tpu.memref_slice %arg7[%dma_start3A_173, %dma_start3A_181, %dma_start3A_182] : memref<2x64x512xf32, #tpu.memory_space<vmem>> -> memref<1x64x512xf32, #tpu.memory_space<vmem>>
        %dma_start3A_184 = tpu.memref_squeeze %dma_start3A_183 : memref<1x64x512xf32, #tpu.memory_space<vmem>> -> memref<64x512xf32, #tpu.memory_space<vmem>>
        %dma_start3A_185 = arith.constant 0 : i32
        %dma_start3A_186 = tpu.memref_slice %arg3[%select_n3A, %dma_start3A_185, %add3A_172] : memref<8x64x65536xf32, #tpu.memory_space<hbm>> -> memref<1x64x512xf32, #tpu.memory_space<hbm>>
        %dma_start3A_187 = tpu.memref_squeeze %dma_start3A_186 : memref<1x64x512xf32, #tpu.memory_space<hbm>> -> memref<64x512xf32, #tpu.memory_space<hbm>>
        tpu.enqueue_dma source(%dma_start3A_187 : memref<64x512xf32, #tpu.memory_space<hbm>>) target(%dma_start3A_184 : memref<64x512xf32, #tpu.memory_space<vmem>>) target_semaphore(%arg12 : memref<!tpu.dma_semaphore, #tpu.memory_space<semaphore_mem>>)
      } else {
      }
      %dma_wait3A_134 = arith.constant 1 : i32
      %dma_wait3A_135 = arith.constant 0 : i32
      %dma_wait3A_136 = arith.constant 0 : i32
      %dma_wait3A_137 = tpu.memref_slice %arg7[%dma_wait3A_134, %dma_wait3A_135, %dma_wait3A_136] : memref<2x64x512xf32, #tpu.memory_space<vmem>> -> memref<1x64x512xf32, #tpu.memory_space<vmem>>
      %dma_wait3A_138 = tpu.memref_squeeze %dma_wait3A_137 : memref<1x64x512xf32, #tpu.memory_space<vmem>> -> memref<64x512xf32, #tpu.memory_space<vmem>>
      %dma_wait3A_139 = arith.constant 0 : i32
      %dma_wait3A_140 = tpu.memref_slice %arg3[%select_n3A, %dma_wait3A_139, %add3A_58] : memref<8x64x65536xf32, #tpu.memory_space<hbm>> -> memref<1x64x512xf32, #tpu.memory_space<hbm>>
      %dma_wait3A_141 = tpu.memref_squeeze %dma_wait3A_140 : memref<1x64x512xf32, #tpu.memory_space<hbm>> -> memref<64x512xf32, #tpu.memory_space<hbm>>
      %dma_wait3A_142 = arith.constant 0 : i32
      %dma_wait3A_143 = arith.constant 0 : i32
      %dma_wait3A_144 = tpu.memref_slice %arg7[%dma_wait3A_134, %dma_wait3A_142, %dma_wait3A_143] : memref<2x64x512xf32, #tpu.memory_space<vmem>> -> memref<1x64x512xf32, #tpu.memory_space<vmem>>
      %dma_wait3A_145 = tpu.memref_squeeze %dma_wait3A_144 : memref<1x64x512xf32, #tpu.memory_space<vmem>> -> memref<64x512xf32, #tpu.memory_space<vmem>>
      %dma_wait3A_146 = arith.constant 0 : i32
      %dma_wait3A_147 = tpu.memref_slice %arg3[%select_n3A, %dma_wait3A_146, %add3A_58] : memref<8x64x65536xf32, #tpu.memory_space<hbm>> -> memref<1x64x512xf32, #tpu.memory_space<hbm>>
      %dma_wait3A_148 = tpu.memref_squeeze %dma_wait3A_147 : memref<1x64x512xf32, #tpu.memory_space<hbm>> -> memref<64x512xf32, #tpu.memory_space<hbm>>
      tpu.wait_dma2 semaphore(%arg13 : memref<!tpu.dma_semaphore, #tpu.memory_space<semaphore_mem>>) src(%dma_wait3A_148 : memref<64x512xf32, #tpu.memory_space<hbm>>) dst(%dma_wait3A_145 : memref<64x512xf32, #tpu.memory_space<vmem>>)
      %add3A_149 = arith.constant 1 : i32
      %add3A_150 = arith.addi %mul3A_105, %add3A_149 : i32
      %mul3A_151 = arith.constant 512 : i32
      %mul3A_152 = arith.muli %add3A_150, %mul3A_151 : i32
      %scan3A_153 = arith.constant 0 : i32
      %scan3A_154 = arith.constant 0 : i32
      %scan3A_155 = arith.constant 32 : i32
      %scan3A_156 = arith.addi %scan3A_154, %scan3A_155 : i32
      %scan3A_157 = arith.constant 1 : i32
      %scan3A_158 = scf.for %scan3A_168 = %scan3A_154 to %scan3A_156 step %scan3A_157 iter_args(%scan3A_169 = %scan3A_153) -> (i32)  : i32 {
        %mul3A_170 = arith.constant 16 : i32
        %mul3A_171 = arith.muli %scan3A_168, %mul3A_170 : i32
        %add3A_172 = arith.addi %mul3A_152, %mul3A_171 : i32
        %get3A_173 = arith.index_cast %add3A_172 : i32 to index
        %get3A_174 = tpu.vector_load %arg8[%get3A_173] {strides = array<i32>} : memref<6144xf32, #tpu.memory_space<vmem>>, vector<16xf32>,
        %get3A_175 = vector.shape_cast %get3A_174 : vector<16xf32> to vector<16xf32>
        %broadcast_in_dim3A = arith.constant 0xFF800000 : f32
        %broadcast_in_dim3A_176 = vector.broadcast %broadcast_in_dim3A : f32 to vector<16xf32>
        %broadcast_in_dim3A_177 = arith.constant 0 : i32
        %broadcast_in_dim3A_178 = vector.broadcast %broadcast_in_dim3A_177 : i32 to vector<16xi32>
        %scan3A_179 = arith.constant 0 : i32
        %scan3A_180 = arith.constant 64 : i32
        %scan3A_181 = arith.addi %scan3A_179, %scan3A_180 : i32
        %scan3A_182 = arith.constant 8 : i32
        %scan3A_183:3 = scf.for %scan3A_198 = %scan3A_179 to %scan3A_181 step %scan3A_182 iter_args(%scan3A_199 = %broadcast_in_dim3A_176, %scan3A_200 = %broadcast_in_dim3A_176, %scan3A_201 = %broadcast_in_dim3A_178) -> (vector<16xf32>, vector<16xf32>, vector<16xi32>)  : i32 {
          %mul3A_202 = arith.constant 16 : i32
          %mul3A_203 = arith.muli %scan3A_168, %mul3A_202 : i32
          %get3A_204 = arith.constant 1 : i32
          %get3A_205 = arith.index_cast %get3A_204 : i32 to index
          %get3A_206 = arith.index_cast %scan3A_198 : i32 to index
          %get3A_207 = arith.index_cast %mul3A_203 : i32 to index
          %get3A_208 = tpu.vector_load %arg7[%get3A_205, %get3A_206, %get3A_207] {strides = array<i32>} : memref<2x64x512xf32, #tpu.memory_space<vmem>>, vector<1x1x16xf32>,
          %get3A_209 = vector.shape_cast %get3A_208 : vector<1x1x16xf32> to vector<16xf32>
          %mul3A_210 = arith.mulf %get3A_209, %get3A_175 : vector<16xf32>
          %gt3A = arith.cmpf ogt, %mul3A_210, %scan3A_199 : vector<16xf32>
          %min3A = arith.minimumf %mul3A_210, %scan3A_199 : vector<16xf32>
          %max3A = arith.maximumf %scan3A_200, %min3A : vector<16xf32>
          %broadcast_in_dim3A_211 = arith.constant 0 : i32
          %broadcast_in_dim3A_212 = vector.broadcast %broadcast_in_dim3A_211 : i32 to vector<16xi32>
          %add3A_213 = vector.broadcast %scan3A_198 : i32 to vector<16xi32>
          %add3A_214 = arith.addi %broadcast_in_dim3A_212, %add3A_213 : vector<16xi32>
          %select_n3A_215 = arith.select %gt3A, %add3A_214, %scan3A_201 : vector<16xi1>, vector<16xi32>
          %max3A_216 = arith.maximumf %scan3A_199, %mul3A_210 : vector<16xf32>
          %scan3A_217 = arith.constant 1 : i32
          %scan3A_218 = arith.addi %scan3A_198, %scan3A_217 : i32
          %mul3A_219 = arith.constant 16 : i32
          %mul3A_220 = arith.muli %scan3A_168, %mul3A_219 : i32
          %get3A_221 = arith.constant 1 : i32
          %get3A_222 = arith.index_cast %get3A_221 : i32 to index
          %get3A_223 = arith.index_cast %scan3A_218 : i32 to index
          %get3A_224 = arith.index_cast %mul3A_220 : i32 to index
          %get3A_225 = tpu.vector_load %arg7[%get3A_222, %get3A_223, %get3A_224] {strides = array<i32>} : memref<2x64x512xf32, #tpu.memory_space<vmem>>, vector<1x1x16xf32>,
          %get3A_226 = vector.shape_cast %get3A_225 : vector<1x1x16xf32> to vector<16xf32>
          %mul3A_227 = arith.mulf %get3A_226, %get3A_175 : vector<16xf32>
          %gt3A_228 = arith.cmpf ogt, %mul3A_227, %max3A_216 : vector<16xf32>
          %min3A_229 = arith.minimumf %mul3A_227, %max3A_216 : vector<16xf32>
          %max3A_230 = arith.maximumf %max3A, %min3A_229 : vector<16xf32>
          %broadcast_in_dim3A_231 = arith.constant 0 : i32
          %broadcast_in_dim3A_232 = vector.broadcast %broadcast_in_dim3A_231 : i32 to vector<16xi32>
          %add3A_233 = vector.broadcast %scan3A_218 : i32 to vector<16xi32>
          %add3A_234 = arith.addi %broadcast_in_dim3A_232, %add3A_233 : vector<16xi32>
          %select_n3A_235 = arith.select %gt3A_228, %add3A_234, %select_n3A_215 : vector<16xi1>, vector<16xi32>
          %max3A_236 = arith.maximumf %max3A_216, %mul3A_227 : vector<16xf32>
          %scan3A_237 = arith.constant 2 : i32
          %scan3A_238 = arith.addi %scan3A_198, %scan3A_237 : i32
          %mul3A_239 = arith.constant 16 : i32
          %mul3A_240 = arith.muli %scan3A_168, %mul3A_239 : i32
          %get3A_241 = arith.constant 1 : i32
          %get3A_242 = arith.index_cast %get3A_241 : i32 to index
          %get3A_243 = arith.index_cast %scan3A_238 : i32 to index
          %get3A_244 = arith.index_cast %mul3A_240 : i32 to index
          %get3A_245 = tpu.vector_load %arg7[%get3A_242, %get3A_243, %get3A_244] {strides = array<i32>} : memref<2x64x512xf32, #tpu.memory_space<vmem>>, vector<1x1x16xf32>,
          %get3A_246 = vector.shape_cast %get3A_245 : vector<1x1x16xf32> to vector<16xf32>
          %mul3A_247 = arith.mulf %get3A_246, %get3A_175 : vector<16xf32>
          %gt3A_248 = arith.cmpf ogt, %mul3A_247, %max3A_236 : vector<16xf32>
          %min3A_249 = arith.minimumf %mul3A_247, %max3A_236 : vector<16xf32>
          %max3A_250 = arith.maximumf %max3A_230, %min3A_249 : vector<16xf32>
          %broadcast_in_dim3A_251 = arith.constant 0 : i32
          %broadcast_in_dim3A_252 = vector.broadcast %broadcast_in_dim3A_251 : i32 to vector<16xi32>
          %add3A_253 = vector.broadcast %scan3A_238 : i32 to vector<16xi32>
          %add3A_254 = arith.addi %broadcast_in_dim3A_252, %add3A_253 : vector<16xi32>
          %select_n3A_255 = arith.select %gt3A_248, %add3A_254, %select_n3A_235 : vector<16xi1>, vector<16xi32>
          %max3A_256 = arith.maximumf %max3A_236, %mul3A_247 : vector<16xf32>
          %scan3A_257 = arith.constant 3 : i32
          %scan3A_258 = arith.addi %scan3A_198, %scan3A_257 : i32
          %mul3A_259 = arith.constant 16 : i32
          %mul3A_260 = arith.muli %scan3A_168, %mul3A_259 : i32
          %get3A_261 = arith.constant 1 : i32
          %get3A_262 = arith.index_cast %get3A_261 : i32 to index
          %get3A_263 = arith.index_cast %scan3A_258 : i32 to index
          %get3A_264 = arith.index_cast %mul3A_260 : i32 to index
          %get3A_265 = tpu.vector_load %arg7[%get3A_262, %get3A_263, %get3A_264] {strides = array<i32>} : memref<2x64x512xf32, #tpu.memory_space<vmem>>, vector<1x1x16xf32>,
          %get3A_266 = vector.shape_cast %get3A_265 : vector<1x1x16xf32> to vector<16xf32>
          %mul3A_267 = arith.mulf %get3A_266, %get3A_175 : vector<16xf32>
          %gt3A_268 = arith.cmpf ogt, %mul3A_267, %max3A_256 : vector<16xf32>
          %min3A_269 = arith.minimumf %mul3A_267, %max3A_256 : vector<16xf32>
          %max3A_270 = arith.maximumf %max3A_250, %min3A_269 : vector<16xf32>
          %broadcast_in_dim3A_271 = arith.constant 0 : i32
          %broadcast_in_dim3A_272 = vector.broadcast %broadcast_in_dim3A_271 : i32 to vector<16xi32>
          %add3A_273 = vector.broadcast %scan3A_258 : i32 to vector<16xi32>
          %add3A_274 = arith.addi %broadcast_in_dim3A_272, %add3A_273 : vector<16xi32>
          %select_n3A_275 = arith.select %gt3A_268, %add3A_274, %select_n3A_255 : vector<16xi1>, vector<16xi32>
          %max3A_276 = arith.maximumf %max3A_256, %mul3A_267 : vector<16xf32>
          %scan3A_277 = arith.constant 4 : i32
          %scan3A_278 = arith.addi %scan3A_198, %scan3A_277 : i32
          %mul3A_279 = arith.constant 16 : i32
          %mul3A_280 = arith.muli %scan3A_168, %mul3A_279 : i32
          %get3A_281 = arith.constant 1 : i32
          %get3A_282 = arith.index_cast %get3A_281 : i32 to index
          %get3A_283 = arith.index_cast %scan3A_278 : i32 to index
          %get3A_284 = arith.index_cast %mul3A_280 : i32 to index
          %get3A_285 = tpu.vector_load %arg7[%get3A_282, %get3A_283, %get3A_284] {strides = array<i32>} : memref<2x64x512xf32, #tpu.memory_space<vmem>>, vector<1x1x16xf32>,
          %get3A_286 = vector.shape_cast %get3A_285 : vector<1x1x16xf32> to vector<16xf32>
          %mul3A_287 = arith.mulf %get3A_286, %get3A_175 : vector<16xf32>
          %gt3A_288 = arith.cmpf ogt, %mul3A_287, %max3A_276 : vector<16xf32>
          %min3A_289 = arith.minimumf %mul3A_287, %max3A_276 : vector<16xf32>
          %max3A_290 = arith.maximumf %max3A_270, %min3A_289 : vector<16xf32>
          %broadcast_in_dim3A_291 = arith.constant 0 : i32
          %broadcast_in_dim3A_292 = vector.broadcast %broadcast_in_dim3A_291 : i32 to vector<16xi32>
          %add3A_293 = vector.broadcast %scan3A_278 : i32 to vector<16xi32>
          %add3A_294 = arith.addi %broadcast_in_dim3A_292, %add3A_293 : vector<16xi32>
          %select_n3A_295 = arith.select %gt3A_288, %add3A_294, %select_n3A_275 : vector<16xi1>, vector<16xi32>
          %max3A_296 = arith.maximumf %max3A_276, %mul3A_287 : vector<16xf32>
          %scan3A_297 = arith.constant 5 : i32
          %scan3A_298 = arith.addi %scan3A_198, %scan3A_297 : i32
          %mul3A_299 = arith.constant 16 : i32
          %mul3A_300 = arith.muli %scan3A_168, %mul3A_299 : i32
          %get3A_301 = arith.constant 1 : i32
          %get3A_302 = arith.index_cast %get3A_301 : i32 to index
          %get3A_303 = arith.index_cast %scan3A_298 : i32 to index
          %get3A_304 = arith.index_cast %mul3A_300 : i32 to index
          %get3A_305 = tpu.vector_load %arg7[%get3A_302, %get3A_303, %get3A_304] {strides = array<i32>} : memref<2x64x512xf32, #tpu.memory_space<vmem>>, vector<1x1x16xf32>,
          %get3A_306 = vector.shape_cast %get3A_305 : vector<1x1x16xf32> to vector<16xf32>
          %mul3A_307 = arith.mulf %get3A_306, %get3A_175 : vector<16xf32>
          %gt3A_308 = arith.cmpf ogt, %mul3A_307, %max3A_296 : vector<16xf32>
          %min3A_309 = arith.minimumf %mul3A_307, %max3A_296 : vector<16xf32>
          %max3A_310 = arith.maximumf %max3A_290, %min3A_309 : vector<16xf32>
          %broadcast_in_dim3A_311 = arith.constant 0 : i32
          %broadcast_in_dim3A_312 = vector.broadcast %broadcast_in_dim3A_311 : i32 to vector<16xi32>
          %add3A_313 = vector.broadcast %scan3A_298 : i32 to vector<16xi32>
          %add3A_314 = arith.addi %broadcast_in_dim3A_312, %add3A_313 : vector<16xi32>
          %select_n3A_315 = arith.select %gt3A_308, %add3A_314, %select_n3A_295 : vector<16xi1>, vector<16xi32>
          %max3A_316 = arith.maximumf %max3A_296, %mul3A_307 : vector<16xf32>
          %scan3A_317 = arith.constant 6 : i32
          %scan3A_318 = arith.addi %scan3A_198, %scan3A_317 : i32
          %mul3A_319 = arith.constant 16 : i32
          %mul3A_320 = arith.muli %scan3A_168, %mul3A_319 : i32
          %get3A_321 = arith.constant 1 : i32
          %get3A_322 = arith.index_cast %get3A_321 : i32 to index
          %get3A_323 = arith.index_cast %scan3A_318 : i32 to index
          %get3A_324 = arith.index_cast %mul3A_320 : i32 to index
          %get3A_325 = tpu.vector_load %arg7[%get3A_322, %get3A_323, %get3A_324] {strides = array<i32>} : memref<2x64x512xf32, #tpu.memory_space<vmem>>, vector<1x1x16xf32>,
          %get3A_326 = vector.shape_cast %get3A_325 : vector<1x1x16xf32> to vector<16xf32>
          %mul3A_327 = arith.mulf %get3A_326, %get3A_175 : vector<16xf32>
          %gt3A_328 = arith.cmpf ogt, %mul3A_327, %max3A_316 : vector<16xf32>
          %min3A_329 = arith.minimumf %mul3A_327, %max3A_316 : vector<16xf32>
          %max3A_330 = arith.maximumf %max3A_310, %min3A_329 : vector<16xf32>
          %broadcast_in_dim3A_331 = arith.constant 0 : i32
          %broadcast_in_dim3A_332 = vector.broadcast %broadcast_in_dim3A_331 : i32 to vector<16xi32>
          %add3A_333 = vector.broadcast %scan3A_318 : i32 to vector<16xi32>
          %add3A_334 = arith.addi %broadcast_in_dim3A_332, %add3A_333 : vector<16xi32>
          %select_n3A_335 = arith.select %gt3A_328, %add3A_334, %select_n3A_315 : vector<16xi1>, vector<16xi32>
          %max3A_336 = arith.maximumf %max3A_316, %mul3A_327 : vector<16xf32>
          %scan3A_337 = arith.constant 7 : i32
          %scan3A_338 = arith.addi %scan3A_198, %scan3A_337 : i32
          %mul3A_339 = arith.constant 16 : i32
          %mul3A_340 = arith.muli %scan3A_168, %mul3A_339 : i32
          %get3A_341 = arith.constant 1 : i32
          %get3A_342 = arith.index_cast %get3A_341 : i32 to index
          %get3A_343 = arith.index_cast %scan3A_338 : i32 to index
          %get3A_344 = arith.index_cast %mul3A_340 : i32 to index
          %get3A_345 = tpu.vector_load %arg7[%get3A_342, %get3A_343, %get3A_344] {strides = array<i32>} : memref<2x64x512xf32, #tpu.memory_space<vmem>>, vector<1x1x16xf32>,
          %get3A_346 = vector.shape_cast %get3A_345 : vector<1x1x16xf32> to vector<16xf32>
          %mul3A_347 = arith.mulf %get3A_346, %get3A_175 : vector<16xf32>
          %gt3A_348 = arith.cmpf ogt, %mul3A_347, %max3A_336 : vector<16xf32>
          %min3A_349 = arith.minimumf %mul3A_347, %max3A_336 : vector<16xf32>
          %max3A_350 = arith.maximumf %max3A_330, %min3A_349 : vector<16xf32>
          %broadcast_in_dim3A_351 = arith.constant 0 : i32
          %broadcast_in_dim3A_352 = vector.broadcast %broadcast_in_dim3A_351 : i32 to vector<16xi32>
          %add3A_353 = vector.broadcast %scan3A_338 : i32 to vector<16xi32>
          %add3A_354 = arith.addi %broadcast_in_dim3A_352, %add3A_353 : vector<16xi32>
          %select_n3A_355 = arith.select %gt3A_348, %add3A_354, %select_n3A_335 : vector<16xi1>, vector<16xi32>
          %max3A_356 = arith.maximumf %max3A_336, %mul3A_347 : vector<16xf32>
          scf.yield %max3A_356, %max3A_350, %select_n3A_355 : vector<16xf32>, vector<16xf32>, vector<16xi32>
        }
        %scan3A_184 = arith.constant 64 : i32
        %mul3A_185 = vector.broadcast %squeeze3A : f32 to vector<16xf32>
        %mul3A_186 = arith.mulf %scan3A_183#0, %mul3A_185 : vector<16xf32>
        %mul3A_187 = vector.broadcast %squeeze3A_62 : f32 to vector<16xf32>
        %mul3A_188 = arith.mulf %scan3A_183#1, %mul3A_187 : vector<16xf32>
        %add3A_189 = arith.addf %mul3A_186, %mul3A_188 : vector<16xf32>
        %swap3A = arith.index_cast %add3A_172 : i32 to index
        %swap3A_190 = tpu.vector_load %arg9[%swap3A] {strides = array<i32>} : memref<6144xf32, #tpu.memory_space<vmem>>, vector<16xf32>,
        %swap3A_191 = vector.shape_cast %swap3A_190 : vector<16xf32> to vector<16xf32>
        %swap3A_192 = vector.shape_cast %add3A_189 : vector<16xf32> to vector<16xf32>
        tpu.vector_store %arg9[%swap3A], %swap3A_192 {strides = array<i32>} : memref<6144xf32, #tpu.memory_space<vmem>>, vector<16xf32>,
        %swap3A_193 = arith.index_cast %add3A_172 : i32 to index
        %swap3A_194 = tpu.vector_load %arg10[%swap3A_193] {strides = array<i32>} : memref<6144xi32, #tpu.memory_space<vmem>>, vector<16xi32>,
        %swap3A_195 = vector.shape_cast %swap3A_194 : vector<16xi32> to vector<16xi32>
        %swap3A_196 = vector.shape_cast %scan3A_183#2 : vector<16xi32> to vector<16xi32>
        tpu.vector_store %arg10[%swap3A_193], %swap3A_196 {strides = array<i32>} : memref<6144xi32, #tpu.memory_space<vmem>>, vector<16xi32>,
        %scan3A_197 = arith.constant 0 : i32
        scf.yield %scan3A_197 : i32
      }
      %scan3A_159 = arith.constant 32 : i32
      %add3A_160 = arith.constant 3 : i32
      %add3A_161 = arith.addi %mul3A_105, %add3A_160 : i32
      %lt3A_162 = arith.constant 12 : i32
      %lt3A_163 = arith.cmpi slt, %add3A_161, %lt3A_162 : i32
      %convert_element_type3A_164 = arith.extui %lt3A_163 : i1 to i32
      %cond3A_165 = arith.constant 0 : i32
      %cond3A_166 = arith.cmpi ne, %convert_element_type3A_164, %cond3A_165 : i32
      scf.if %cond3A_166 {
        %add3A_168 = arith.constant 3 : i32
        %add3A_169 = arith.addi %mul3A_105, %add3A_168 : i32
        %mul3A_170 = arith.constant 512 : i32
        %mul3A_171 = arith.muli %add3A_169, %mul3A_170 : i32
        %add3A_172 = arith.addi %add3A_58, %mul3A_171 : i32
        %dma_start3A_173 = arith.constant 1 : i32
        %dma_start3A_174 = arith.constant 0 : i32
        %dma_start3A_175 = arith.constant 0 : i32
        %dma_start3A_176 = tpu.memref_slice %arg7[%dma_start3A_173, %dma_start3A_174, %dma_start3A_175] : memref<2x64x512xf32, #tpu.memory_space<vmem>> -> memref<1x64x512xf32, #tpu.memory_space<vmem>>
        %dma_start3A_177 = tpu.memref_squeeze %dma_start3A_176 : memref<1x64x512xf32, #tpu.memory_space<vmem>> -> memref<64x512xf32, #tpu.memory_space<vmem>>
        %dma_start3A_178 = arith.constant 0 : i32
        %dma_start3A_179 = tpu.memref_slice %arg3[%select_n3A, %dma_start3A_178, %add3A_172] : memref<8x64x65536xf32, #tpu.memory_space<hbm>> -> memref<1x64x512xf32, #tpu.memory_space<hbm>>
        %dma_start3A_180 = tpu.memref_squeeze %dma_start3A_179 : memref<1x64x512xf32, #tpu.memory_space<hbm>> -> memref<64x512xf32, #tpu.memory_space<hbm>>
        %dma_start3A_181 = arith.constant 0 : i32
        %dma_start3A_182 = arith.constant 0 : i32
        %dma_start3A_183 = tpu.memref_slice %arg7[%dma_start3A_173, %dma_start3A_181, %dma_start3A_182] : memref<2x64x512xf32, #tpu.memory_space<vmem>> -> memref<1x64x512xf32, #tpu.memory_space<vmem>>
        %dma_start3A_184 = tpu.memref_squeeze %dma_start3A_183 : memref<1x64x512xf32, #tpu.memory_space<vmem>> -> memref<64x512xf32, #tpu.memory_space<vmem>>
        %dma_start3A_185 = arith.constant 0 : i32
        %dma_start3A_186 = tpu.memref_slice %arg3[%select_n3A, %dma_start3A_185, %add3A_172] : memref<8x64x65536xf32, #tpu.memory_space<hbm>> -> memref<1x64x512xf32, #tpu.memory_space<hbm>>
        %dma_start3A_187 = tpu.memref_squeeze %dma_start3A_186 : memref<1x64x512xf32, #tpu.memory_space<hbm>> -> memref<64x512xf32, #tpu.memory_space<hbm>>
        tpu.enqueue_dma source(%dma_start3A_187 : memref<64x512xf32, #tpu.memory_space<hbm>>) target(%dma_start3A_184 : memref<64x512xf32, #tpu.memory_space<vmem>>) target_semaphore(%arg13 : memref<!tpu.dma_semaphore, #tpu.memory_space<semaphore_mem>>)
      } else {
      }
      %scan3A_167 = arith.constant 0 : i32
      scf.yield %scan3A_167 : i32
    }
    %scan3A_101 = arith.constant 6 : i32
    "tpu.region"() ({
      %run_scoped3A = tpu.sem_alloc : memref<!tpu.dma_semaphore, #tpu.memory_space<semaphore_mem>>
      %dma_start3A_102 = tpu.memref_slice %arg5[%select_n3A, %mul3A_56] : memref<8x24576xf32, #tpu.memory_space<hbm>> -> memref<1x6144xf32, #tpu.memory_space<hbm>>
      %dma_start3A_103 = tpu.memref_squeeze %dma_start3A_102 : memref<1x6144xf32, #tpu.memory_space<hbm>> -> memref<6144xf32, #tpu.memory_space<hbm>>
      %dma_start3A_104 = tpu.memref_slice %arg5[%select_n3A, %mul3A_56] : memref<8x24576xf32, #tpu.memory_space<hbm>> -> memref<1x6144xf32, #tpu.memory_space<hbm>>
      %dma_start3A_105 = tpu.memref_squeeze %dma_start3A_104 : memref<1x6144xf32, #tpu.memory_space<hbm>> -> memref<6144xf32, #tpu.memory_space<hbm>>
      tpu.enqueue_dma source(%arg9 : memref<6144xf32, #tpu.memory_space<vmem>>) target(%dma_start3A_105 : memref<6144xf32, #tpu.memory_space<hbm>>) target_semaphore(%run_scoped3A : memref<!tpu.dma_semaphore, #tpu.memory_space<semaphore_mem>>)
      %dma_wait3A = tpu.memref_slice %arg5[%select_n3A, %mul3A_56] : memref<8x24576xf32, #tpu.memory_space<hbm>> -> memref<1x6144xf32, #tpu.memory_space<hbm>>
      %dma_wait3A_106 = tpu.memref_squeeze %dma_wait3A : memref<1x6144xf32, #tpu.memory_space<hbm>> -> memref<6144xf32, #tpu.memory_space<hbm>>
      %dma_wait3A_107 = tpu.memref_slice %arg5[%select_n3A, %mul3A_56] : memref<8x24576xf32, #tpu.memory_space<hbm>> -> memref<1x6144xf32, #tpu.memory_space<hbm>>
      %dma_wait3A_108 = tpu.memref_squeeze %dma_wait3A_107 : memref<1x6144xf32, #tpu.memory_space<hbm>> -> memref<6144xf32, #tpu.memory_space<hbm>>
      tpu.wait_dma2 semaphore(%run_scoped3A : memref<!tpu.dma_semaphore, #tpu.memory_space<semaphore_mem>>) src(%arg9 : memref<6144xf32, #tpu.memory_space<vmem>>) dst(%dma_wait3A_108 : memref<6144xf32, #tpu.memory_space<hbm>>)
      tpu.yield
    }) : () -> ()
    "tpu.region"() ({
      %run_scoped3A = tpu.sem_alloc : memref<!tpu.dma_semaphore, #tpu.memory_space<semaphore_mem>>
      %dma_start3A_102 = tpu.memref_slice %arg6[%select_n3A, %mul3A_56] : memref<8x24576xi32, #tpu.memory_space<hbm>> -> memref<1x6144xi32, #tpu.memory_space<hbm>>
      %dma_start3A_103 = tpu.memref_squeeze %dma_start3A_102 : memref<1x6144xi32, #tpu.memory_space<hbm>> -> memref<6144xi32, #tpu.memory_space<hbm>>
      %dma_start3A_104 = tpu.memref_slice %arg6[%select_n3A, %mul3A_56] : memref<8x24576xi32, #tpu.memory_space<hbm>> -> memref<1x6144xi32, #tpu.memory_space<hbm>>
      %dma_start3A_105 = tpu.memref_squeeze %dma_start3A_104 : memref<1x6144xi32, #tpu.memory_space<hbm>> -> memref<6144xi32, #tpu.memory_space<hbm>>
      tpu.enqueue_dma source(%arg10 : memref<6144xi32, #tpu.memory_space<vmem>>) target(%dma_start3A_105 : memref<6144xi32, #tpu.memory_space<hbm>>) target_semaphore(%run_scoped3A : memref<!tpu.dma_semaphore, #tpu.memory_space<semaphore_mem>>)
      %dma_wait3A = tpu.memref_slice %arg6[%select_n3A, %mul3A_56] : memref<8x24576xi32, #tpu.memory_space<hbm>> -> memref<1x6144xi32, #tpu.memory_space<hbm>>
      %dma_wait3A_106 = tpu.memref_squeeze %dma_wait3A : memref<1x6144xi32, #tpu.memory_space<hbm>> -> memref<6144xi32, #tpu.memory_space<hbm>>
      %dma_wait3A_107 = tpu.memref_slice %arg6[%select_n3A, %mul3A_56] : memref<8x24576xi32, #tpu.memory_space<hbm>> -> memref<1x6144xi32, #tpu.memory_space<hbm>>
      %dma_wait3A_108 = tpu.memref_squeeze %dma_wait3A_107 : memref<1x6144xi32, #tpu.memory_space<hbm>> -> memref<6144xi32, #tpu.memory_space<hbm>>
      tpu.wait_dma2 semaphore(%run_scoped3A : memref<!tpu.dma_semaphore, #tpu.memory_space<semaphore_mem>>) src(%arg10 : memref<6144xi32, #tpu.memory_space<vmem>>) dst(%dma_wait3A_108 : memref<6144xi32, #tpu.memory_space<hbm>>)
      tpu.yield
    }) : () -> ()
    return
  }
}

module attributes {stable_mosaic.version = 14 : i64} {
  func.func @_tc_body(%arg0: i32, %arg1: i32, %arg2: memref<1x1x2048xf32, #tpu.memory_space<vmem>>, %arg3: memref<1x64x2048xf32, #tpu.memory_space<vmem>>, %arg4: memref<8x128xf32, #tpu.memory_space<vmem>>, %arg5: memref<1x1x2048xf32, #tpu.memory_space<vmem>>, %arg6: memref<1x1x2048xi32, #tpu.memory_space<vmem>>) attributes {dimension_semantics = [#tpu.dimension_semantics<arbitrary>, #tpu.dimension_semantics<arbitrary>], iteration_bounds = array<i64: 8, 20>, scalar_prefetch = 0 : i64, scratch_operands = 0 : i64, tpu.core_type = #tpu.core_type<tc>, window_params = [{transform_indices = @transform_0, window_bounds = array<i64: 1, 1, 2048>}, {transform_indices = @transform_1, window_bounds = array<i64: 1, 64, 2048>}, {transform_indices = @transform_2, window_bounds = array<i64: 8, 128>}, {transform_indices = @transform_3, window_bounds = array<i64: 1, 1, 2048>}, {transform_indices = @transform_4, window_bounds = array<i64: 1, 1, 2048>}]} {
    %get3A = arith.constant 0 : index
    %get3A_0 = arith.constant 0 : index
    %get3A_1 = arith.constant 0 : index
    %get3A_2 = vector.load %arg3[%get3A, %get3A_0, %get3A_1] : memref<1x64x2048xf32, #tpu.memory_space<vmem>>, vector<1x64x2048xf32>
    %get3A_3 = vector.shape_cast %get3A_2 : vector<1x64x2048xf32> to vector<64x2048xf32>
    %get3A_4 = arith.constant 0 : index
    %get3A_5 = arith.constant 0 : index
    %get3A_6 = arith.constant 0 : index
    %get3A_7 = vector.load %arg2[%get3A_4, %get3A_5, %get3A_6] : memref<1x1x2048xf32, #tpu.memory_space<vmem>>, vector<1x1x2048xf32>
    %get3A_8 = vector.shape_cast %get3A_7 : vector<1x1x2048xf32> to vector<1x2048xf32>
    %mul3A = vector.broadcast %get3A_8 : vector<1x2048xf32> to vector<64x2048xf32>
    %mul3A_9 = arith.mulf %get3A_3, %mul3A : vector<64x2048xf32>
    %reduce_max3A = arith.constant dense<0xFF800000> : vector<2048xf32>
    %reduce_max3A_10 = vector.multi_reduction <maximumf>, %mul3A_9, %reduce_max3A [0] : vector<64x2048xf32> to vector<2048xf32>
    %broadcast_in_dim3A = vector.shape_cast %reduce_max3A_10 : vector<2048xf32> to vector<1x2048xf32>
    %iota3A = tpu.iota {dimensions = array<i32: 0>} : vector<64x2048xi32>
    %eq3A = vector.broadcast %broadcast_in_dim3A : vector<1x2048xf32> to vector<64x2048xf32>
    %eq3A_11 = arith.cmpf oeq, %mul3A_9, %eq3A : vector<64x2048xf32>
    %jit3A = arith.constant 64 : i32
    %broadcast_in_dim3A_12 = vector.broadcast %jit3A : i32 to vector<64x2048xi32>
    %select_n3A = arith.select %eq3A_11, %iota3A, %broadcast_in_dim3A_12 : vector<64x2048xi1>, vector<64x2048xi32>
    %reduce_min3A = arith.constant dense<2147483647> : vector<2048xi32>
    %reduce_min3A_13 = vector.multi_reduction <minsi>, %select_n3A, %reduce_min3A [0] : vector<64x2048xi32> to vector<2048xi32>
    %broadcast_in_dim3A_14 = vector.shape_cast %reduce_min3A_13 : vector<2048xi32> to vector<1x2048xi32>
    %eq3A_15 = vector.broadcast %broadcast_in_dim3A_14 : vector<1x2048xi32> to vector<64x2048xi32>
    %eq3A_16 = arith.cmpi eq, %iota3A, %eq3A_15 : vector<64x2048xi32>
    %jit3A_17 = arith.constant 0xFF800000 : f32
    %broadcast_in_dim3A_18 = vector.broadcast %jit3A_17 : f32 to vector<64x2048xf32>
    %select_n3A_19 = arith.select %eq3A_16, %broadcast_in_dim3A_18, %mul3A_9 : vector<64x2048xi1>, vector<64x2048xf32>
    %reduce_max3A_20 = arith.constant dense<0xFF800000> : vector<2048xf32>
    %reduce_max3A_21 = vector.multi_reduction <maximumf>, %select_n3A_19, %reduce_max3A_20 [0] : vector<64x2048xf32> to vector<2048xf32>
    %broadcast_in_dim3A_22 = vector.shape_cast %reduce_max3A_21 : vector<2048xf32> to vector<1x2048xf32>
    %get3A_23 = arith.constant 0 : index
    %get3A_24 = arith.constant 0 : index
    %get3A_25 = vector.load %arg4[%get3A_23, %get3A_24] : memref<8x128xf32, #tpu.memory_space<vmem>>, vector<1x1xf32>
    %get3A_26 = vector.extract %get3A_25[0, 0] : f32 from vector<1x1xf32>
    %get3A_27 = arith.constant 0 : index
    %get3A_28 = arith.constant 1 : index
    %get3A_29 = vector.load %arg4[%get3A_27, %get3A_28] : memref<8x128xf32, #tpu.memory_space<vmem>>, vector<1x1xf32>
    %get3A_30 = vector.extract %get3A_29[0, 0] : f32 from vector<1x1xf32>
    %mul3A_31 = vector.broadcast %get3A_26 : f32 to vector<1x2048xf32>
    %mul3A_32 = arith.mulf %broadcast_in_dim3A, %mul3A_31 : vector<1x2048xf32>
    %mul3A_33 = vector.broadcast %get3A_30 : f32 to vector<1x2048xf32>
    %mul3A_34 = arith.mulf %broadcast_in_dim3A_22, %mul3A_33 : vector<1x2048xf32>
    %add3A = arith.addf %mul3A_32, %mul3A_34 : vector<1x2048xf32>
    %swap3A = arith.constant 0 : index
    %swap3A_35 = arith.constant 0 : index
    %swap3A_36 = arith.constant 0 : index
    %swap3A_37 = vector.load %arg5[%swap3A, %swap3A_35, %swap3A_36] : memref<1x1x2048xf32, #tpu.memory_space<vmem>>, vector<1x1x2048xf32>
    %swap3A_38 = vector.shape_cast %swap3A_37 : vector<1x1x2048xf32> to vector<1x2048xf32>
    %swap3A_39 = vector.shape_cast %add3A : vector<1x2048xf32> to vector<1x1x2048xf32>
    tpu.vector_store %arg5[%swap3A, %swap3A_35, %swap3A_36], %swap3A_39 {strides = array<i32>} : memref<1x1x2048xf32, #tpu.memory_space<vmem>>, vector<1x1x2048xf32>,
    %swap3A_40 = arith.constant 0 : index
    %swap3A_41 = arith.constant 0 : index
    %swap3A_42 = arith.constant 0 : index
    %swap3A_43 = vector.load %arg6[%swap3A_40, %swap3A_41, %swap3A_42] : memref<1x1x2048xi32, #tpu.memory_space<vmem>>, vector<1x1x2048xi32>
    %swap3A_44 = vector.shape_cast %swap3A_43 : vector<1x1x2048xi32> to vector<1x2048xi32>
    %swap3A_45 = vector.shape_cast %broadcast_in_dim3A_14 : vector<1x2048xi32> to vector<1x1x2048xi32>
    tpu.vector_store %arg6[%swap3A_40, %swap3A_41, %swap3A_42], %swap3A_45 {strides = array<i32>} : memref<1x1x2048xi32, #tpu.memory_space<vmem>>, vector<1x1x2048xi32>,
    return
  }
  func.func @transform_0(%arg0: i32, %arg1: i32) -> (i32, i32, i32) {
    %jit3A = arith.constant 2 : i32
    %div3A = arith.divsi %arg0, %jit3A : i32
    %sign3A = arith.constant 0 : i32
    %sign3A_0 = arith.cmpi sgt, %arg0, %sign3A : i32
    %sign3A_1 = arith.extui %sign3A_0 : i1 to i32
    %sign3A_2 = arith.constant 0 : i32
    %sign3A_3 = arith.cmpi slt, %arg0, %sign3A_2 : i32
    %sign3A_4 = arith.extui %sign3A_3 : i1 to i32
    %sign3A_5 = arith.subi %sign3A_1, %sign3A_4 : i32
    %sign3A_6 = arith.constant 0 : i32
    %sign3A_7 = arith.cmpi sgt, %jit3A, %sign3A_6 : i32
    %sign3A_8 = arith.extui %sign3A_7 : i1 to i32
    %sign3A_9 = arith.constant 0 : i32
    %sign3A_10 = arith.cmpi slt, %jit3A, %sign3A_9 : i32
    %sign3A_11 = arith.extui %sign3A_10 : i1 to i32
    %sign3A_12 = arith.subi %sign3A_8, %sign3A_11 : i32
    %ne3A = arith.cmpi ne, %sign3A_5, %sign3A_12 : i32
    %rem3A = arith.remsi %arg0, %jit3A : i32
    %ne3A_13 = arith.constant 0 : i32
    %ne3A_14 = arith.cmpi ne, %rem3A, %ne3A_13 : i32
    %and3A = arith.andi %ne3A, %ne3A_14 : i1
    %sub3A = arith.constant 1 : i32
    %sub3A_15 = arith.subi %div3A, %sub3A : i32
    %select_n3A = arith.select %and3A, %sub3A_15, %div3A : i32
    %c0_i32 = arith.constant 0 : i32
    %c0_i32_16 = arith.constant 0 : i32
    return %select_n3A, %c0_i32, %arg1 : i32, i32, i32
  }
  func.func @transform_1(%arg0: i32, %arg1: i32) -> (i32, i32, i32) {
    %c0_i32 = arith.constant 0 : i32
    %c0_i32_0 = arith.constant 0 : i32
    return %arg0, %c0_i32, %arg1 : i32, i32, i32
  }
  func.func @transform_2(%arg0: i32, %arg1: i32) -> (i32, i32) {
    %c0_i32 = arith.constant 0 : i32
    %c0_i32_0 = arith.constant 0 : i32
    %c0_i32_1 = arith.constant 0 : i32
    return %c0_i32, %c0_i32_0 : i32, i32
  }
  func.func @transform_3(%arg0: i32, %arg1: i32) -> (i32, i32, i32) {
    %c0_i32 = arith.constant 0 : i32
    %c0_i32_0 = arith.constant 0 : i32
    return %arg0, %c0_i32, %arg1 : i32, i32, i32
  }
  func.func @transform_4(%arg0: i32, %arg1: i32) -> (i32, i32, i32) {
    %c0_i32 = arith.constant 0 : i32
    %c0_i32_0 = arith.constant 0 : i32
    return %arg0, %c0_i32, %arg1 : i32, i32, i32
  }
}

</mosaic_0001>

<sc_bundles>
// kernel: kernel.4.cloned.1.call-start
scs
__scs_entry_jumppad:
0x0: {  	(pc) =	sbr.rel $0x88, $3  }
0x1: {  	(tag) =	ssettag $0x0;
	lr =	simm.s32 $0x1  }
0x2: {  	[smem:$0x3F9E] =	sst lr;
	_ =	strace $0xD0000000  }
0x3: {  	_ = 	snop  }
0x4: {  	_ = 	snop  }
0x5: {  	_ = 	snop  }
0x6: {  	_ = 	snop  }
0x7: {  	_ = 	snop  }
__scs_overlays_trampoline_lowered:
0x8: {  	[smem:$0x3FAD] =	sst s0  }
0x9: {  	[smem:$0x3FAE] =	sst s1  }
0xa: {  	[smem:$0x3FAF] =	sst s2  }
0xb: {  	[smem:$0x3FB0] =	sst s3  }
0xc: {  	[smem:$0x3FB1] =	sst s4  }
0xd: {  	[smem:$0x3FB2] =	sst s5  }
0xe: {  	[smem:$0x3FB3] =	sst s6  }
0xf: {  	[smem:$0x3FB4] =	sst s7  }
0x10: {  	[smem:$0x3FB5] =	sst s8  }
0x11: {  	[smem:$0x3FB6] =	sst s9;
	s0 =	simm.s32 @!p0 $0x0  }
0x12: {  	s1 =	sld [smem:$0x3F9C];
	s0 =	simm.s32 @p0 $0x1  }
0x13: {  	[smem:$0x3FB7] =	sst s0;
	s0 =	simm.s32 @!p1 $0x0  }
0x14: {  	s2 =	sld [smem:$0x3F9B];
	s0 =	simm.s32 @p1 $0x1  }
0x15: {  	[smem:$0x3FB8] =	sst s0;
	s0 =	simm.s32 @!p2 $0x0  }
0x16: {  	s3 =	sld [smem:$0x3FDB];
	s0 =	simm.s32 @p2 $0x1  }
0x17: {  	s4 =	simm.s32 $0x1BF5;
	[smem:$0x3FBA] =	sst s0  }
0x18: {  	s0 =	sld [smem:$0x3F9D];
	_ =	swait.ge [sflag:s4], $0x0  }
0x19: {  	s7 =	sld [smem:$0x3F9E]  }
0x1a: {  	s8 =	sadd.s32 $0xFFFFE003, lr  }
0x1b: {  	s9 =	sadd.s32 $0xFFFFFEF7, lr;
	s5 =	simm.s32 $0xFFFFFFFF;
	p2 =	slt.u32 s8, $0xFFFFF086  }
0x1c: {  	p1 =	slt.u32 s9, $0xF7A;
	s5 =	simm.s32 @!p2 $0x0  }
0x1d: {  	s5 =	simm.s32 @p1 $0x1;
	p0 =	seq.s32 s7, s2  }
0x1e: {  	s7 =	smul.u32 @!p0 $0xF7A, s2;
	p2 =	seq.s32 @!p0 s5, $0x0  }
0x1f: {  	s9 =	smul.u32 $0xF7A, s1;
	s8 =	simm.s32 @!p0 $0x1BF5;
	p2 =	por !p2, p0  }
0x20: {  	[sflag:s8] =	ssyncset.s32 @!p0 $0xFFFFF086;
	s6 =	sadd.s32 @!p0 s3, s7;
	s7 =	simm.s32 @!p0 $0x108  }
0x21: {  	s3 =	sadd.s32 s3, s9;
	s6 =	sadd.s32 @!p0 $0x88, s6;
	s7 =	simm.s32 @p2 $0x1082  }
0x22: {  	[simem:s7], [sflag:s8] =	dma.local @!p0 [hbm:s6], $0xF7A  }
0x23: {  	s9 =	sor.u32 $0xD0000000, s2;
	s6 =	simm.s32 $0x108;
	_ =	swait.ge @!p0 [sflag:s8], $0x0  }
0x24: {  	s3 =	sadd.s32 $0x88, s3;
	s6 =	simm.s32 @!p1 $0x1082;
	[sflag:s4] =	ssyncset.s32 $0xFFFFF086  }
0x25: {  	[simem:s6], [sflag:s4] =	dma.local [hbm:s3], $0xF7A  }
0x26: {  	[smem:$0x3F9E] =	sst s1;
	(tag) =	ssettag s2;
	_ =	strace s9  }
0x27: {  	s1 =	sld [smem:$0x3FAE]  }
0x28: {  	s2 =	sld [smem:$0x3FAF]  }
0x29: {  	s4 =	sld [smem:$0x3FB1]  }
0x2a: {  	p0 =	seq.s32 s5, $0x0;
	s5 =	sld [smem:$0x3FB2]  }
0x2b: {  	s6 =	sld [smem:$0x3FB3]  }
0x2c: {  	s7 =	sld [smem:$0x3FB4]  }
0x2d: {  	s3 =	simm.s32 $0x108;
	s8 =	sld [smem:$0x3FB5]  }
0x2e: {  	s3 =	simm.s32 @!p0 $0x1082;
	s9 =	sld [smem:$0x3FB6]  }
0x2f: {  	lr =	sadd.s32 s0, s3;
	s0 =	sld [smem:$0x3FAD]  }
0x30: {  	s3 =	sld [smem:$0x3FB0]  }
0x31: {  	[smem:$0x3FB9] =	sst s10  }
0x32: {  	s10 =	sld [smem:$0x3FB7];
	_ =	sdelay $0x3  }
0x33: {  	p0 =	seq.s32 s10, $0x1;
	s10 =	sld [smem:$0x3FB9];
	_ =	sdelay $0x3  }
0x34: {  	[smem:$0x3FB9] =	sst s10  }
0x35: {  	s10 =	sld [smem:$0x3FB8];
	_ =	sdelay $0x3  }
0x36: {  	p1 =	seq.s32 s10, $0x1;
	s10 =	sld [smem:$0x3FB9];
	_ =	sdelay $0x3  }
0x37: {  	[smem:$0x3FB9] =	sst s10  }
0x38: {  	s10 =	sld [smem:$0x3FBA]  }
0x39: {  	_ = 	snop;
	(pc) =	sbr.ind lr, $3  }
0x3a: {  	_ = 	snop  }
0x3b: {  	_ = 	snop  }
0x3c: {  	p2 =	seq.s32 s10, $0x1;
	s10 =	sld [smem:$0x3FB9]  }
0x3d: {  	_ =	shalt  }
0x3e: {  	_ =	shalt  }
0x3f: {  	_ =	shalt  }
0x40: {  	_ =	shalt  }
0x41: {  	_ =	shalt  }
0x42: {  	_ =	shalt  }
0x43: {  	_ =	shalt  }
0x44: {  	_ =	shalt  }
0x45: {  	_ =	shalt  }
0x46: {  	_ =	shalt  }
0x47: {  	_ =	shalt  }
0x48: {  	_ =	shalt  }
0x49: {  	_ =	shalt  }
0x4a: {  	_ =	shalt  }
0x4b: {  	_ =	shalt  }
0x4c: {  	_ =	shalt  }
0x4d: {  	_ =	shalt  }
0x4e: {  	_ =	shalt  }
0x4f: {  	_ =	shalt  }
0x50: {  	_ =	shalt  }
0x51: {  	_ =	shalt  }
0x52: {  	_ =	shalt  }
0x53: {  	_ =	shalt  }
0x54: {  	_ =	shalt  }
0x55: {  	_ =	shalt  }
0x56: {  	_ =	shalt  }
0x57: {  	_ =	shalt  }
0x58: {  	_ =	shalt  }
0x59: {  	_ =	shalt  }
0x5a: {  	_ =	shalt  }
0x5b: {  	_ =	shalt  }
0x5c: {  	_ =	shalt  }
0x5d: {  	_ =	shalt  }
0x5e: {  	_ =	shalt  }
0x5f: {  	_ =	shalt  }
0x60: {  	_ =	shalt  }
0x61: {  	_ =	shalt  }
0x62: {  	_ =	shalt  }
0x63: {  	_ =	shalt  }
0x64: {  	_ =	shalt  }
0x65: {  	_ =	shalt  }
0x66: {  	_ =	shalt  }
0x67: {  	_ =	shalt  }
0x68: {  	_ =	shalt  }
0x69: {  	_ =	shalt  }
0x6a: {  	_ =	shalt  }
0x6b: {  	_ =	shalt  }
0x6c: {  	_ =	shalt  }
0x6d: {  	_ =	shalt  }
0x6e: {  	_ =	shalt  }
0x6f: {  	_ =	shalt  }
0x70: {  	_ =	shalt  }
0x71: {  	_ =	shalt  }
0x72: {  	_ =	shalt  }
0x73: {  	_ =	shalt  }
0x74: {  	_ =	shalt  }
0x75: {  	_ =	shalt  }
0x76: {  	_ =	shalt  }
0x77: {  	_ =	shalt  }
0x78: {  	_ =	shalt  }
0x79: {  	_ =	shalt  }
0x7a: {  	_ =	shalt  }
0x7b: {  	_ =	shalt  }
0x7c: {  	_ =	shalt  }
0x7d: {  	_ =	shalt  }
0x7e: {  	_ =	shalt  }
0x7f: {  	_ =	shalt  }
0x80: {  	_ =	shalt  }
0x81: {  	_ =	shalt  }
0x82: {  	_ =	shalt  }
0x83: {  	_ =	shalt  }
0x84: {  	_ =	shalt  }
0x85: {  	_ =	shalt  }
0x86: {  	_ =	shalt  }
0x87: {  	_ =	shalt  }
.Lfunc_end0:
.L_simem_size_0:
called_computation_lowered:
.L_overlay_start_0:
0x88: {  	s2 =	sld [smem:$0x3FD9]  }
0x89: {  	s3 =	sld [smem:$0x3FFE];
	_ =	sdelay $0x1  }
0x8a: {  	s1 =	srdreg.scid  }
0x8b: {  	s0 =	sand.u32 $0x1, s1  }
0x8c: {  	s14 =	sshll.u32 s0, $0xA;
	s2 =	sadd.s32 s3, s2  }
0x8d: {  	s2 =	sadd.s32 s2, s14  }
0x8e: {  	[smem:$0x3FC5] =	sst s2  }
0x8f: {  	_ = 	snop  }
0x90: {  	s2 =	sld [smem:$0x3FD0];
	_ =	sdelay $0x1  }
0x91: {  	s15 =	sld [smem:$0x3FC9]  }
0x92: {  	s5 =	simm.s32 $0xA;
	s6 =	simm.s32 $0x10;
	s4 =	sld [smem:$0x3FC8]  }
0x93: {  	[smem:s6], [sflag:s5] =	dma.local [hbm:s2], $0x1  }
0x94: {  	_ =	swait.eq [sflag:s5], $0x1  }
0x95: {  	[sflag:s5] =	ssyncset.done $0x0  }
0x96: {  	s16 =	sld [smem:$0x10];
	[sflag:s5] =	ssyncadd.s32 $0xFFFFFFFF  }
0x97: {  	s17 =	sld [smem:$0x11];
	(tm) =	ssettm $0x1  }
0x98: {  	s18 =	sld [smem:$0x3FFB];
	_ =	sdelay $0x3  }
0x99: {  	_ =	strace s18  }
0x9a: {  	s6 =	sld [smem:$0x3FFC];
	_ =	sdelay $0x3  }
0x9b: {  	_ =	strace s6  }
0x9c: {  	s6 =	sld [smem:$0x3FFD];
	_ =	sdelay $0x3  }
0x9d: {  	_ =	strace s6  }
0x9e: {  	_ =	strace $0x8FFFFFFF  }
0x9f: {  	s19 =	sld [smem:$0x3FDB];
	_ =	sdelay $0x1  }
0xa0: {  	s7 =	simm.s32 $_scs_section_size  }
0xa1: {  	s8 =	simm.s32 $_size__tile_overlayer_lowered;
	s9 =	simm.s32 $_tile_overlayer_lowered  }
0xa2: {  	s22 =	simm.s32 $0x1BFF;
	s21 =	sshll.u32 s9, $0x1;
	s6 =	sadd.s32 s7, s19  }
0xa3: {  	s10 =	simm.s32 $0x0;
	s20 =	sshll.u32 s8, $0x1;
	s8 =	sadd.s32 s21, s6  }
0xa4: {  	[timem:s10], [sflag:s22] =	dma.local [hbm:s8], s20  }
0xa5: {  	_ =	swait.ge [sflag:s22], s20  }
0xa6: {  	s7 =	ssub.s32 $0x0, s20;
	[sflag:s22] =	ssyncset.done $0x0  }
0xa7: {  	[sflag:s22] =	ssyncadd.s32 s7;
	_ =	sdelay $0x1  }
0xa8: {  	s23 =	simm.s32 $0x1B8B  }
0xa9: {  	_ =	swait.ge [sflag:s23], $0x1  }
0xaa: {  	[sflag:s23] =	ssyncset.done $0x0  }
0xab: {  	s25 =	simm.s32 $0x1B8E;
	s24 =	sld [smem:$0x3FFE];
	[sflag:s23] =	ssyncadd.s32 $0xFFFFFFFF  }
0xac: {  	s26 =	simm.s32 $execute0_lowered;
	[smem:$0x3FD2] =	sst s25  }
0xad: {  	s8 =	sshll.u32 s26, $0x1;
	_ =	strace $0x80000046;
	[dreg:$0x1] =	wrdreg $0xFFFFFFFF  }
0xae: {  	s28 =	simm.s32 $_size_execute0_lowered;
	s6 =	sadd.s32 s6, s8;
	[dreg:$0x0] =	wrdreg $0x0  }
0xaf: {  	s8 =	sshll.u32 s28, $0x1;
	[dreg:$0x2] =	wrdreg s6  }
0xb0: {  	[dreg:$0x3] =	wrdreg s8  }
0xb1: {  	[dreg:$0x4] =	wrdreg $0xC0  }
0xb2: {  	_ =	task [dreg:s10], $0x5FFFF  }
0xb3: {  	[dreg:$0x1] =	wrdreg $0xFFFFFFFF  }
0xb4: {  	[dreg:$0x0] =	wrdreg $0x60  }
0xb5: {  	[dreg:$0x2] =	wrdreg s15  }
0xb6: {  	[dreg:$0x3] =	wrdreg s4  }
0xb7: {  	[dreg:$0x4] =	wrdreg s24  }
0xb8: {  	[dreg:$0x5] =	wrdreg s17  }
0xb9: {  	[dreg:$0x6] =	wrdreg s16  }
0xba: {  	[dreg:$0x7] =	wrdreg $0x9  }
0xbb: {  	_ =	task.clear_ibuf [dreg:s10], $0x8FFFF;
	_ =	strace $0x90000046  }
0xbc: {  	s29 =	simm.s32 $0x9;
	_ =	strace $0x80000048  }
0xbd: {  	_ =	swait.ge [sflag:s29], $0x1  }
0xbe: {  	[sflag:s29] =	ssyncadd.s32 $0xFFFFFFFF  }
0xbf: {  	_ =	strace $0x90000048  }
0xc0: {  	_ =	sfence  }
0xc1: {  	s30 =	sld [smem:$0x0];
	_ =	sdelay $0x2  }
0xc2: {  	s31 =	sshll.u32 s1, $0xD;
	s1 =	sshrl.u32 s1, $0x2  }
0xc3: {  	s3 =	sand.u32 $0x4000, s31;
	s1 =	sadd.s32 s1, s30  }
0xc4: {  	s0 =	sor.u32 s3, s0;
	s1 =	sshll.u32 s1, $0x11  }
0xc5: {  	s0 =	sor.u32 s1, s0  }
0xc6: {  	s0 =	sadd.s32 $0x8F2B, s0  }
0xc7: {  	[sflag:s0] =	ssyncadd.remote.s32 $0x1  }
0xc8: {  	_ =	sfence.sel $0xFFFF  }
0xc9: {  	[dreg:$0x0] =	wrdreg $0xFFFFFFFF;
	(pc) =	sbr.abs _section_cstart, $3  }
0xca: {  	[dreg:$0x1] =	wrdreg $0xFFFFFFFF  }
0xcb: {  	_ =	task.clear_ibuf [dreg:s10], $0x2FFFF;
	_ =	strace $0x9FFFFFFF  }
0xcc: {  	(tm) =	ssettm $0x7FFFFFFF  }
0xcd: {  	_ =	shalt  }
tec
execute0_lowered:
.L_overlay_start_1:
0x0: {  	(tag) =	ssettag $0x1  }
0x1: {  	s0 =	rddreg [dreg:$0x0]  }
0x2: {  	s1 =	rddreg [dreg:$0x1]  }
0x3: {  	s2 =	rddreg [dreg:$0x2]  }
0x4: {  	s8 =	stileid.u32;
	s3 =	rddreg [dreg:$0x3]  }
0x5: {  	s4 =	srdreg.scid;
	s11 =	rddreg [dreg:$0x4];
	s6 =	simm.s32 $0x0  }
0x6: {  	s14 =	simm.s32 $0x3;
	s15 =	simm.s32 $0x80;
	s18 =	simm.s32 $0x1000  }
0x7: {  	s19 =	simm.s32 $0x80000;
	s20 =	simm.s32 $0x8000;
	s5 =	sshll.u32 s8, $0x1  }
0x8: {  	s4 =	sand.u32 $0x1, s4;
	[smem:$0x7FF] =	sst s6;
	s2 =	sadd.s32 $0x600, s2  }
0x9: {  	s23 =	sshll.u32 s8, $0x5;
	s8 =	sshrl.u32 s8, $0x1;
	s5 =	sand.u32 $0x2, s5  }
0xa: {  	s21 =	ssub.s32 $0x2, s4;
	_ =	strace $0x80000047;
	[dreg:$0x6] =	wrdreg s2  }
0xb: {  	s6 =	sand.u32 $0x180, s23;
	s24 =	sshll.u32 s8, $0x13;
	s5 =	sor.u32 s4, s5  }
0xc: {  	s12 =	sshll.u32 s8, $0x16;
	s8 =	sshll.u32 s8, $0x7;
	s7 =	smul.u32 $0x1800, s5  }
0xd: {  	s23 =	simm.s32 $0x400;
	s22 =	sshrl.u32 s21, $0x1;
	s10 =	smul.u32 $0xC000, s5  }
0xe: {  	s26 =	sadd.s32 s1, s24;
	s2 =	ssub.s32 s21, s22;
	s21 =	simm.s32 $0x1  }
0xf: {  	s22 =	simm.s32 $0x2;
	s7 =	sadd.s32 $0xA000, s7;
	s29 =	sor.u32 s12, s10  }
0x10: {  	s10 =	sor.u32 s8, s10;
	s9 =	sshll.u32 s7, $0x2;
	s28 =	sadd.s32 s7, s26  }
0x11: {  	s7 =	sshll.u32 s7, $0x3;
	s31 =	sshrl.u32 s10, $0x3;
	s6 =	sor.u32 s6, s9  }
.Ltmp0:
0x12: {  	s26 =	simm.s32 $0x0;
	s25 =	sshrl.u32 s6, $0x3;
	(pc) =	sbr.rel .LBB2_1-.Ltmp0, $4  }
0x13: {  	[dreg:$0x8] =	wrdreg s28;
	s30 =	sor.u32 s7, s12;
	s0 =	sadd.s32 s0, s25  }
0x14: {  	s10 =	sadd.s32 s3, s31;
	[dreg:$0x7] =	wrdreg s0;
	s0 =	sadd.s32 $0x51000, s29  }
0x15: {  	s11 =	sadd.s32 s11, s31;
	s12 =	smax.u32 s2, $0x1;
	s0 =	sshrl.u32 s0, $0x3  }
0x16: {  	s8 =	sor.u32 $0x2000, s30;
	s9 =	sor.u32 $0x3000, s30;
	s7 =	sadd.s32 s1, s0  }
.LBB2_12:
0x17: {  	s0 =	simm.s32 $0x11800  }
0x18: {  	[hbm4b:s10+s15] =	stream.strided.scatter [tilespmem:s0], [sflag:$0x3], $0x1800, s23, s15, $0x38;
	[tilespmem:$0x14880] =	vst v63  }
0x19: {  	s26 =	sadd.s32 $0x1, s26;
	_ =	swait.ge [sflag:s14], $0x1800  }
0x1a: {  	p0 =	sne.s32 s26, s12;
	[sflag:s14] =	ssyncset.done $0x0  }
.Ltmp1:
0x1b: {  	s31 =	simm.s32 $0x13000;
	[sflag:s14] =	ssyncadd.s32 $0xFFFFE800;
	(pc) =	sbr.rel @!p0 .LBB2_13-.Ltmp1, $4  }
0x1c: {  	[hbm4b:s11+s15] =	stream.strided.scatter [tilespmem:s31], [sflag:$0x3], $0x1800, s23, s15, $0x38;
	[tilespmem:$0x14880] =	vst v63  }
0x1d: {  	_ =	swait.ge [sflag:s14], $0x1800  }
0x1e: {  	[sflag:s14] =	ssyncset.done $0x0  }
0x1f: {  	[sflag:s14] =	ssyncadd.s32 $0xFFFFE800  }
.LBB2_1:
0x20: {  	s0 =	simm.s32 $0x0;
	s2 =	rddreg [dreg:$0x6];
	s3 =	simm.s32 $0x14800  }
0x21: {  	[tilespmem:s3], [sflag:$0x3] =	stream.linear.gather [hbm4b:s2+s0], $0x80, $0x38;
	[tilespmem:$0x14880] =	vst v63  }
0x22: {  	_ =	swait.ge [sflag:s14], $0x80  }
0x23: {  	s30 =	simm.s32 $0x200;
	[sflag:s14] =	ssyncset.done $0x0  }
0x24: {  	s4 =	simm.s32 $0x10000;
	s29 =	rddreg [dreg:$0x7];
	[sflag:s14] =	ssyncadd.s32 $0xFFFFFF80  }
0x25: {  	[tilespmem:s4], [sflag:$0x3] =	stream.strided.gather [hbm4b:s29+s15], $0x1800, s30, s15, $0x38;
	[tilespmem:$0x14880] =	vst v63  }
0x26: {  	_ =	swait.ge [sflag:s14], $0x1800  }
0x27: {  	[sflag:s14] =	ssyncset.done $0x0  }
0x28: {  	[sflag:s14] =	ssyncadd.s32 $0xFFFFE800  }
0x29: {  	v1 =	vld [tilespmem:$0x14800];
	_ =	sdelay $0x1  }
0x2a: {  	s31 =	rddreg [dreg:$0x8]  }
0x2b: {  	[tilespmem:s0], [sflag:$0x1] =	stream.strided.gather [hbm4b:s31+s18], $0x8000, s19, s18, $0x38;
	[tilespmem:$0x14880] =	vst v63  }
0x2c: {  	s28 =	simm.s32 $0x0  }
0x2d: {  	[tilespmem:s20], [sflag:$0x2] =	stream.strided.gather [hbm4b:s7+s18], $0x8000, s19, s18, $0x38;
	v0 =	vbroadcast v1, $0x0;
	v1 =	vbroadcast v1, $0x1;
	[tilespmem:$0x14880] =	vst v63  }
.LBB2_2:
0x2e: {  	_ =	swait.ge [sflag:s21], $0x8000;
	s30 =	sshll.u32 s28, $0xA  }
0x2f: {  	s29 =	simm.s32 $0x0;
	s31 =	simm.s32 $0x0;
	[sflag:s21] =	ssyncset.done $0x0  }
0x30: {  	s2 =	simm.s32 $0x0;
	s0 =	simm.s32 $0x0;
	[sflag:s21] =	ssyncadd.s32 $0xFFFF8000  }
.LBB2_3:
0x31: {  	s3 =	sshll.u32 s2, $0x2;
	s13 =	sand.u32 $0x7, s31  }
0x32: {  	s3 =	sand.u32 $0xFFFFF000, s3;
	s13 =	sshll.u32 s13, $0x6  }
0x33: {  	s25 =	sshll.u32 s0, $0x4;
	s3 =	sor.u32 s13, s3  }
0x34: {  	s13 =	sor.u32 s30, s25;
	s3 =	sshrl.u32 s3, $0x2  }
0x35: {  	v2 =	vld [tilespmem:s13+$0x10000];
	s3 =	sor.u32 $0x200, s3  }
0x36: {  	v3 =	vld [tilespmem:s3+$0xFFFFFE00]  }
0x37: {  	v4 =	vld [tilespmem:s3+$0xFFFFFE80]  }
0x38: {  	v8 =	vld [tilespmem:s3+$0xFFFFFF00]  }
0x39: {  	v9 =	vld [tilespmem:s3+$0xFFFFFF80]  }
0x3a: {  	v6 =	vld [tilespmem:s3+$0x80]  }
0x3b: {  	v7 =	vld [tilespmem:s3+$0x0]  }
0x3c: {  	v3 =	vmul.f32 v3, v2  }
0x3d: {  	v10 =	vimm.f32 $-Inf;
	v17 =	vimm.s32 $0x0;
	v4 =	vmul.f32 v4, v2  }
0x3e: {  	v8 =	vmul.f32 v8, v2;
	v12 =	vmul.f32 v9, v2;
	vm0 =	vgt.f32 v3, v10  }
0x3f: {  	v13 =	vmin.f32 v3, v10;
	v5 =	vmax.f32 v10, v3;
	v3 =	vmul.f32 v6, v2  }
0x40: {  	v6 =	vmul.f32 v7, v2;
	v14 =	vmin.f32 v4, v5;
	v11 =	vmax.f32 v5, v4  }
0x41: {  	v7 =	vmax.f32 v10, v13;
	v18 =	vsel vm0, s29, v17;
	v15 =	vmax.f32 v11, v8  }
0x42: {  	v16 =	vld [tilespmem:s3+$0x100];
	v10 =	vmin.f32 v8, v11;
	v7 =	vmax.f32 v7, v14;
	v13 =	vmax.f32 v15, v12  }
0x43: {  	s17 =	simm.s32 $0x1;
	v9 =	vld [tilespmem:s3+$0x180];
	v19 =	vmin.f32 v12, v15;
	v10 =	vmax.f32 v7, v10;
	v7 =	vmax.f32 v13, v6  }
0x44: {  	s24 =	simm.s32 $0x8;
	s16 =	simm.s32 $0x0;
	s25 =	sadd.s32 $0x1000, s3;
	v14 =	vmin.f32 v6, v13;
	v17 =	vmax.f32 v10, v19;
	v10 =	vmin.f32 v3, v7  }
.LBB2_4:
0x45: {  	s3 =	sadd.s32 $0x1, s24  }
0x46: {  	v19 =	vld [tilespmem:s25+$0xFFFFFE00];
	p0 =	slt.u32 s24, $0x38;
	vm0 =	vgt.f32 v4, v5;
	vm1 =	vgt.f32 v8, v11;
	vm2 =	vgt.f32 v12, v15;
	s4 =	smov.u32 s24;
	s24 =	sadd.s32 $0x8, s24  }
0x47: {  	s5 =	sadd.s32 $0x2, s16;
	vm3 =	vgt.f32 v3, v7;
	v8 =	vld [tilespmem:s25+$0x80];
	v4 =	vsel vm0, s17, v18;
	vm0 =	vgt.f32 v6, v13;
	s17 =	smov.u32 s3  }
0x48: {  	s3 =	sadd.s32 $0x3, s16;
	v9 =	vmul.f32 v9, v2;
	v6 =	vld [tilespmem:s25+$0xFFFFFE80];
	v4 =	vsel vm1, s5, v4;
	v5 =	vmul.f32 v16, v2  }
0x49: {  	v11 =	vmax.f32 v17, v14;
	v3 =	vmax.f32 v7, v3;
	v4 =	vsel vm2, s3, v4;
	s3 =	sadd.s32 $0x4, s16  }
0x4a: {  	v7 =	vld [tilespmem:s25+$0x0];
	v4 =	vsel vm0, s3, v4;
	v12 =	vmin.f32 v5, v3;
	v13 =	vmax.f32 v3, v5  }
0x4b: {  	v10 =	vmax.f32 v11, v10;
	vm1 =	vgt.f32 v5, v3;
	v14 =	vmul.f32 v19, v2;
	v15 =	vld [tilespmem:s25+$0xFFFFFF00]  }
0x4c: {  	s3 =	sadd.s32 $0x5, s16;
	v10 =	vmax.f32 v10, v12;
	v11 =	vmin.f32 v9, v13;
	v3 =	vmax.f32 v13, v9;
	v16 =	vld [tilespmem:s25+$0xFFFFFF80]  }
0x4d: {  	v12 =	vsel vm3, s3, v4;
	s3 =	sadd.s32 $0x6, s16;
	vm0 =	vgt.f32 v14, v3;
	v17 =	vmin.f32 v14, v3  }
0x4e: {  	v5 =	vmax.f32 v3, v14;
	v4 =	vmul.f32 v6, v2;
	v6 =	vsel vm1, s3, v12;
	s3 =	sadd.s32 $0x7, s16;
	s16 =	smov.u32 s4  }
0x4f: {  	v3 =	vmul.f32 v8, v2;
	vm1 =	vgt.f32 v9, v13;
	v9 =	vmax.f32 v10, v11  }
0x50: {  	v18 =	vsel vm1, s3, v6;
	v10 =	vmin.f32 v4, v5;
	v8 =	vmul.f32 v15, v2  }
.Ltmp2:
0x51: {  	v11 =	vmax.f32 v5, v4;
	v6 =	vmul.f32 v7, v2;
	v12 =	vmul.f32 v16, v2;
	(pc) =	sbr.rel @p0 .LBB2_4-.Ltmp2, $4  }
0x52: {  	v7 =	vmax.f32 v9, v17;
	v14 =	vmin.f32 v8, v11;
	v15 =	vmax.f32 v11, v8;
	v9 =	vld [tilespmem:s25+$0x180]  }
0x53: {  	v7 =	vmax.f32 v7, v10;
	v10 =	vmin.f32 v12, v15;
	v13 =	vmax.f32 v15, v12;
	v16 =	vld [tilespmem:s25+$0x100]  }
0x54: {  	v17 =	vmax.f32 v7, v14;
	v14 =	vmin.f32 v6, v13;
	v7 =	vmax.f32 v13, v6  }
0x55: {  	v18 =	vsel vm0, s16, v18;
	s25 =	sadd.s32 $0x1000, s25;
	v17 =	vmax.f32 v17, v10;
	v10 =	vmin.f32 v3, v7  }
0x56: {  	vm0 =	vgt.f32 v4, v5;
	vm1 =	vgt.f32 v8, v11;
	vm2 =	vgt.f32 v12, v15  }
0x57: {  	v55 =	vmax.f32 v17, v14;
	v56 =	vmax.f32 v7, v3;
	vm12 =	vgt.f32 v6, v13  }
0x58: {  	s3 =	sadd.s32 $0x2, s16;
	vm13 =	vgt.f32 v3, v7;
	v4 =	vsel vm0, s17, v18;
	v54 =	vmul.f32 v16, v2  }
0x59: {  	s5 =	sadd.s32 $0x3, s16;
	v8 =	vmax.f32 v55, v10;
	v2 =	vmul.f32 v9, v2;
	v4 =	vsel vm1, s3, v4  }
0x5a: {  	s6 =	sadd.s32 $0x4, s16;
	v4 =	vsel vm2, s5, v4;
	v57 =	vmin.f32 v54, v56;
	v58 =	vmax.f32 v56, v54  }
0x5b: {  	s0 =	sadd.s32 $0x1, s0;
	v3 =	vsel vm12, s6, v4;
	v59 =	vmax.f32 v8, v57;
	v60 =	vmin.f32 v2, v58  }
0x5c: {  	s17 =	sadd.s32 $0x5, s16;
	p0 =	sne.s32 s0, $0x20;
	vm14 =	vgt.f32 v54, v56;
	v61 =	vmax.f32 v58, v2;
	v6 =	vmax.f32 v59, v60  }
.Ltmp3:
0x5d: {  	s24 =	sadd.s32 $0x6, s16;
	v3 =	vsel vm13, s17, v3;
	v62 =	vmul.f32 v61, v0;
	v6 =	vmul.f32 v6, v1;
	(pc) =	sbr.rel @p0 .LBB2_3-.Ltmp3, $4  }
0x5e: {  	s25 =	sadd.s32 $0x7, s16;
	vm15 =	vgt.f32 v2, v58;
	v3 =	vsel vm14, s24, v3  }
0x5f: {  	v2 =	vsel vm15, s25, v3;
	v63 =	vadd.f32 v6, v62  }
0x60: {  	[tilespmem:s13+$0x13000] =	vst v2  }
0x61: {  	s2 =	sadd.s32 $0x80, s2;
	s31 =	sadd.s32 $0x1, s31;
	[tilespmem:s13+$0x11800] =	vst v63  }
0x62: {  	s29 =	sshll.u32 s28, $0xD;
	p0 =	seq.s32 s28, $0x5  }
0x63: {  	s0 =	sadd.s32 @!p0 s29, s8  }
0x64: {  	s2 =	simm.s32 @!p0 $0x1000;
	s0 =	sshrl.u32 @!p0 s0, $0x3  }
0x65: {  	s3 =	simm.s32 @!p0 $0x80000;
	s4 =	simm.s32 @!p0 $0x0;
	s0 =	sadd.s32 @!p0 s1, s0  }
0x66: {  	[tilespmem:s4], [sflag:$0x1] =	stream.strided.gather @!p0 [hbm4b:s0+s2], $0x8000, s3, s2, $0x38;
	[tilespmem:$0x14880] =	vst v63  }
0x67: {  	s30 =	sor.u32 $0x200, s30;
	_ =	swait.ge [sflag:s22], $0x8000  }
0x68: {  	s31 =	simm.s32 $0x0;
	s13 =	simm.s32 $0x0;
	[sflag:s22] =	ssyncset.done $0x0  }
0x69: {  	s2 =	simm.s32 $0x0;
	s0 =	simm.s32 $0x0;
	[sflag:s22] =	ssyncadd.s32 $0xFFFF8000  }
.LBB2_7:
0x6a: {  	s3 =	sshll.u32 s0, $0x2;
	s4 =	sand.u32 $0x7, s2  }
0x6b: {  	s3 =	sand.u32 $0xFFFFF000, s3;
	s4 =	sshll.u32 s4, $0x6  }
0x6c: {  	s25 =	sshll.u32 s13, $0x4;
	s3 =	sor.u32 s4, s3  }
0x6d: {  	s16 =	sor.u32 s30, s25;
	s3 =	sshrl.u32 s3, $0x2  }
0x6e: {  	v2 =	vld [tilespmem:s16+$0x10000];
	s3 =	sadd.s32 $0x8380, s3  }
0x6f: {  	v3 =	vld [tilespmem:s3+$0xFFFFFC80]  }
0x70: {  	v4 =	vld [tilespmem:s3+$0xFFFFFD00]  }
0x71: {  	v8 =	vld [tilespmem:s3+$0xFFFFFD80]  }
0x72: {  	v9 =	vld [tilespmem:s3+$0xFFFFFE00]  }
0x73: {  	v6 =	vld [tilespmem:s3+$0xFFFFFF00]  }
0x74: {  	v7 =	vld [tilespmem:s3+$0xFFFFFE80]  }
0x75: {  	v3 =	vmul.f32 v3, v2  }
0x76: {  	v10 =	vimm.f32 $-Inf;
	v17 =	vimm.s32 $0x0;
	v4 =	vmul.f32 v4, v2  }
0x77: {  	v8 =	vmul.f32 v8, v2;
	v12 =	vmul.f32 v9, v2;
	vm0 =	vgt.f32 v3, v10  }
0x78: {  	v13 =	vmin.f32 v3, v10;
	v5 =	vmax.f32 v10, v3;
	v3 =	vmul.f32 v6, v2  }
0x79: {  	v6 =	vmul.f32 v7, v2;
	v14 =	vmin.f32 v4, v5;
	v11 =	vmax.f32 v5, v4  }
0x7a: {  	v7 =	vmax.f32 v10, v13;
	v18 =	vsel vm0, s31, v17;
	v15 =	vmax.f32 v11, v8  }
0x7b: {  	v16 =	vld [tilespmem:s3+$0xFFFFFF80];
	v10 =	vmin.f32 v8, v11;
	v7 =	vmax.f32 v7, v14;
	v13 =	vmax.f32 v15, v12  }
0x7c: {  	s24 =	simm.s32 $0x1;
	v9 =	vld [tilespmem:s3+$0x0];
	v19 =	vmin.f32 v12, v15;
	v10 =	vmax.f32 v7, v10;
	v7 =	vmax.f32 v13, v6  }
0x7d: {  	s17 =	simm.s32 $0x0;
	s25 =	simm.s32 $0x8;
	s3 =	sadd.s32 $0x1000, s3;
	v14 =	vmin.f32 v6, v13;
	v17 =	vmax.f32 v10, v19;
	v10 =	vmin.f32 v3, v7  }
.LBB2_8:
0x7e: {  	s4 =	sadd.s32 $0x1, s25  }
0x7f: {  	v19 =	vld [tilespmem:s3+$0xFFFFFC80];
	p1 =	slt.u32 s25, $0x38;
	vm0 =	vgt.f32 v4, v5;
	vm1 =	vgt.f32 v8, v11;
	vm2 =	vgt.f32 v12, v15;
	s5 =	smov.u32 s25;
	s25 =	sadd.s32 $0x8, s25  }
0x80: {  	s6 =	sadd.s32 $0x2, s17;
	vm3 =	vgt.f32 v3, v7;
	v8 =	vld [tilespmem:s3+$0xFFFFFF00];
	v4 =	vsel vm0, s24, v18;
	vm0 =	vgt.f32 v6, v13;
	s24 =	smov.u32 s4  }
0x81: {  	s4 =	sadd.s32 $0x3, s17;
	v9 =	vmul.f32 v9, v2;
	v6 =	vld [tilespmem:s3+$0xFFFFFD00];
	v4 =	vsel vm1, s6, v4;
	v5 =	vmul.f32 v16, v2  }
0x82: {  	v11 =	vmax.f32 v17, v14;
	v3 =	vmax.f32 v7, v3;
	v4 =	vsel vm2, s4, v4;
	s4 =	sadd.s32 $0x4, s17  }
0x83: {  	v7 =	vld [tilespmem:s3+$0xFFFFFE80];
	v4 =	vsel vm0, s4, v4;
	v12 =	vmin.f32 v5, v3;
	v13 =	vmax.f32 v3, v5  }
0x84: {  	v10 =	vmax.f32 v11, v10;
	vm1 =	vgt.f32 v5, v3;
	v14 =	vmul.f32 v19, v2;
	v15 =	vld [tilespmem:s3+$0xFFFFFD80]  }
0x85: {  	s4 =	sadd.s32 $0x5, s17;
	v10 =	vmax.f32 v10, v12;
	v11 =	vmin.f32 v9, v13;
	v3 =	vmax.f32 v13, v9;
	v16 =	vld [tilespmem:s3+$0xFFFFFE00]  }
0x86: {  	v12 =	vsel vm3, s4, v4;
	s4 =	sadd.s32 $0x6, s17;
	vm0 =	vgt.f32 v14, v3;
	v17 =	vmin.f32 v14, v3  }
0x87: {  	v5 =	vmax.f32 v3, v14;
	v4 =	vmul.f32 v6, v2;
	v6 =	vsel vm1, s4, v12;
	s4 =	sadd.s32 $0x7, s17;
	s17 =	smov.u32 s5  }
0x88: {  	v3 =	vmul.f32 v8, v2;
	vm1 =	vgt.f32 v9, v13;
	v9 =	vmax.f32 v10, v11  }
0x89: {  	v18 =	vsel vm1, s4, v6;
	v10 =	vmin.f32 v4, v5;
	v8 =	vmul.f32 v15, v2  }
.Ltmp4:
0x8a: {  	v11 =	vmax.f32 v5, v4;
	v6 =	vmul.f32 v7, v2;
	v12 =	vmul.f32 v16, v2;
	(pc) =	sbr.rel @p1 .LBB2_8-.Ltmp4, $4  }
0x8b: {  	v7 =	vmax.f32 v9, v17;
	v14 =	vmin.f32 v8, v11;
	v15 =	vmax.f32 v11, v8;
	v9 =	vld [tilespmem:s3+$0x0]  }
0x8c: {  	v7 =	vmax.f32 v7, v10;
	v10 =	vmin.f32 v12, v15;
	v13 =	vmax.f32 v15, v12;
	v16 =	vld [tilespmem:s3+$0xFFFFFF80]  }
0x8d: {  	v17 =	vmax.f32 v7, v14;
	v14 =	vmin.f32 v6, v13;
	v7 =	vmax.f32 v13, v6  }
0x8e: {  	v18 =	vsel vm0, s17, v18;
	s3 =	sadd.s32 $0x1000, s3;
	v17 =	vmax.f32 v17, v10;
	v10 =	vmin.f32 v3, v7  }
0x8f: {  	vm0 =	vgt.f32 v4, v5;
	vm1 =	vgt.f32 v8, v11;
	vm2 =	vgt.f32 v12, v15  }
0x90: {  	v55 =	vmax.f32 v17, v14;
	v56 =	vmax.f32 v7, v3;
	vm12 =	vgt.f32 v6, v13  }
0x91: {  	s3 =	sadd.s32 $0x2, s17;
	vm13 =	vgt.f32 v3, v7;
	v4 =	vsel vm0, s24, v18;
	v54 =	vmul.f32 v16, v2  }
0x92: {  	s4 =	sadd.s32 $0x3, s17;
	v8 =	vmax.f32 v55, v10;
	v2 =	vmul.f32 v9, v2;
	v4 =	vsel vm1, s3, v4  }
0x93: {  	s5 =	sadd.s32 $0x4, s17;
	v4 =	vsel vm2, s4, v4;
	v57 =	vmin.f32 v54, v56;
	v58 =	vmax.f32 v56, v54  }
0x94: {  	s13 =	sadd.s32 $0x1, s13;
	v3 =	vsel vm12, s5, v4;
	v59 =	vmax.f32 v8, v57;
	v60 =	vmin.f32 v2, v58  }
0x95: {  	s6 =	sadd.s32 $0x5, s17;
	p1 =	sne.s32 s13, $0x20;
	vm14 =	vgt.f32 v54, v56;
	v61 =	vmax.f32 v58, v2;
	v6 =	vmax.f32 v59, v60  }
.Ltmp5:
0x96: {  	s24 =	sadd.s32 $0x6, s17;
	v3 =	vsel vm13, s6, v3;
	v62 =	vmul.f32 v61, v0;
	v6 =	vmul.f32 v6, v1;
	(pc) =	sbr.rel @p1 .LBB2_7-.Ltmp5, $4  }
0x97: {  	s25 =	sadd.s32 $0x7, s17;
	vm15 =	vgt.f32 v2, v58;
	v3 =	vsel vm14, s24, v3  }
0x98: {  	v2 =	vsel vm15, s25, v3;
	v63 =	vadd.f32 v6, v62  }
0x99: {  	[tilespmem:s16+$0x13000] =	vst v2  }
0x9a: {  	s0 =	sadd.s32 $0x80, s0;
	s2 =	sadd.s32 $0x1, s2;
	[tilespmem:s16+$0x11800] =	vst v63  }
.Ltmp6:
0x9b: {  	(pc) =	sbr.rel @p0 .LBB2_12-.Ltmp6, $1  }
0x9c: {  	_ =	sdelay $0x3  }
.Ltmp7:
0x9d: {  	(pc) =	sbr.rel .LBB2_2-.Ltmp7, $4  }
0x9e: {  	s0 =	sadd.s32 s29, s9  }
0x9f: {  	s0 =	sshrl.u32 s0, $0x3  }
0xa0: {  	s28 =	sadd.s32 $0x1, s28;
	s0 =	sadd.s32 s1, s0  }
0xa1: {  	[tilespmem:s20], [sflag:$0x2] =	stream.strided.gather [hbm4b:s0+s18], $0x8000, s19, s18, $0x38;
	[tilespmem:$0x14880] =	vst v63  }
.LBB2_13:
0xa2: {  	_ =	sfence.sel $0x180000  }
0xa3: {  	[bflag:$0x0] =	sbarrier.arrive $0xFFFF  }
0xa4: {  	_ =	strace $0x90000047  }
0xa5: {  	s0 =	stileid.u32;
	[bflag:$0x2] =	sbarrier.arrive $0xFFFF  }
0xa6: {  	p0 =	sne.s32 s0, $0x0;
	s0 =	rddreg [dreg:$0x5]  }
0xa7: {  	s0 =	sadd.s32 @!p0 $0x100000, s0  }
0xa8: {  	[sflag:s0] =	ssyncadd.tile.s32 @!p0 $0x1;
	_ =	shalt  }
.Lfunc_end2:
_tile_overlayer_lowered:
.L_overlay_start_2:
0xa9: {  	(tag) =	ssettag $0x2  }
0xaa: {  	s0 =	rddreg [dreg:$0x0];
	s2 =	stileid.u32  }
0xab: {  	s1 =	rddreg [dreg:$0x1];
	p0 =	sne.s32 s2, $0x0  }
0xac: {  	s3 =	rddreg [dreg:$0x2];
	[bflag:$0x3] =	sbarrier.arrive $0xFFFF;
	s2 =	simm.s32 @!p0 $0x1C03  }
0xad: {  	[timem:s3], [sflag:s2] =	dma.local @!p0 [hbm:s0], s1  }
0xae: {  	s0 =	simm.s32 @!p0 $0x3  }
0xaf: {  	_ =	swait.ge @!p0 [sflag:s0], s1  }
0xb0: {  	s1 =	ssub.s32 @!p0 $0x0, s1;
	[sflag:s0] =	ssyncset.done @!p0 $0x0  }
0xb1: {  	[sflag:s0] =	ssyncadd.s32 @!p0 s1  }
0xb2: {  	[bflag:$0x3] =	sbarrier.arrive $0xFFFF  }
0xb3: {  	_ =	shalt  }

</sc_bundles>
